<compile_context>
chip_gen: v7x
topology: tpu7x:2x2x1
jax: 0.10.2.dev20260603
libtpu: 0.0.44.dev20260713+nightly
codegen_flags: <defaults>
</compile_context>

<pallas_src>
import functools

import jax
import jax.numpy as jnp
from jax import lax
from jax.experimental import pallas as pl
from jax.experimental.pallas import tpu as pltpu
from jax.experimental.pallas import tpu_sc as plsc

LANES = 16
NSUB = 16
MAX_OUT = 100
IOU_THR = 0.5
SCORE_THR = 0.1
NEG = -1.0e30
BIGI = 2**30
BIGF = 1.0e30
ROW = 8


def _nms_body(per, nvec, s_hbm, y1_hbm, x1_hbm, y2_hbm, x2_hbm, c_hbm,
              out_hbm, work, wy1, wx1, wy2, wx2, warea, wcls, stage, buf,
              rec, shared):
    sid = lax.axis_index("s")
    base = sid * per
    lane = lax.iota(jnp.int32, LANES)

    pltpu.sync_copy(s_hbm.at[pl.ds(base, per)], work)
    pltpu.sync_copy(y1_hbm.at[pl.ds(base, per)], wy1)
    pltpu.sync_copy(x1_hbm.at[pl.ds(base, per)], wx1)
    pltpu.sync_copy(y2_hbm.at[pl.ds(base, per)], wy2)
    pltpu.sync_copy(x2_hbm.at[pl.ds(base, per)], wx2)
    pltpu.sync_copy(c_hbm.at[pl.ds(base, per)], wcls)

    def init_body(j, carry):
        maxv, maxi = carry
        off = j * LANES
        v = work[pl.ds(off, LANES)]
        w = jnp.where(v >= SCORE_THR, v, NEG)
        work[pl.ds(off, LANES)] = w
        a = (wy2[pl.ds(off, LANES)] - wy1[pl.ds(off, LANES)]) * (
            wx2[pl.ds(off, LANES)] - wx1[pl.ds(off, LANES)])
        warea[pl.ds(off, LANES)] = a
        idxv = off + lane
        upd = (w > maxv) | ((w == maxv) & (idxv < maxi))
        return jnp.where(upd, w, maxv), jnp.where(upd, idxv, maxi)

    maxv0 = jnp.full((LANES,), NEG, jnp.float32)
    maxi0 = jnp.zeros((LANES,), jnp.int32)
    maxv, maxi = lax.fori_loop(0, nvec, init_body, (maxv0, maxi0))

    def round_body(i, carry):
        maxv, maxi = carry
        par = (i % 2) * (NSUB * ROW)
        m = jnp.max(maxv)
        jloc = jnp.min(jnp.where(maxv == m, maxi, BIGI))
        jidx = jnp.full((LANES,), jloc, jnp.int32)
        y1g = plsc.load_gather(wy1, [jidx])
        x1g = plsc.load_gather(wx1, [jidx])
        y2g = plsc.load_gather(wy2, [jidx])
        x2g = plsc.load_gather(wx2, [jidx])
        cg = plsc.load_gather(wcls, [jidx])
        gidxf = (jloc + base).astype(jnp.float32)
        r = jnp.where(lane == 0, m, 0.0)
        r = jnp.where(lane == 1, gidxf, r)
        r = jnp.where(lane == 2, y1g, r)
        r = jnp.where(lane == 3, x1g, r)
        r = jnp.where(lane == 4, y2g, r)
        r = jnp.where(lane == 5, x2g, r)
        r = jnp.where(lane == 6, cg, r)
        stage[...] = r
        pltpu.sync_copy(stage.at[pl.ds(0, ROW)],
                        shared.at[pl.ds(par + sid * ROW, ROW)])
        plsc.subcore_barrier()
        pltpu.sync_copy(shared.at[pl.ds(par, NSUB * ROW)], buf)

        row = lane * ROW
        maxes = plsc.load_gather(buf, [row])
        idxs = plsc.load_gather(buf, [row + 1])
        m2 = jnp.max(maxes)
        ok = m2 >= SCORE_THR
        cand = jnp.where(maxes == m2, idxs, BIGF)
        widxf = jnp.min(cand)
        widx = widxf.astype(jnp.int32)
        t = widx // per
        trow = jnp.full((LANES,), t * ROW, jnp.int32)
        y1s = plsc.load_gather(buf, [trow + 2])
        x1s = plsc.load_gather(buf, [trow + 3])
        y2s = plsc.load_gather(buf, [trow + 4])
        x2s = plsc.load_gather(buf, [trow + 5])
        cs = plsc.load_gather(buf, [trow + 6])

        rv = jnp.where(lane == 0, m2, 0.0)
        rv = jnp.where(lane == 1, y1s, rv)
        rv = jnp.where(lane == 2, x1s, rv)
        rv = jnp.where(lane == 3, y2s, rv)
        rv = jnp.where(lane == 4, x2s, rv)
        rv = jnp.where(lane == 5, cs, rv)
        rec[pl.ds(i * LANES, LANES)] = jnp.where(ok, rv, 0.0)

        widxi = widx - base
        kmask = ok & (t == sid) & (lane == 0)
        kaddr = jnp.clip(jnp.full((LANES,), widxi, jnp.int32), 0, per - 1)
        plsc.store_scatter(work, [kaddr], jnp.full((LANES,), NEG, jnp.float32),
                           mask=kmask)
        y1k = jnp.where(ok, y1s, BIGF)
        x1k = jnp.where(ok, x1s, BIGF)
        y2k = jnp.where(ok, y2s, BIGF)
        x2k = jnp.where(ok, x2s, BIGF)
        area_k = (y2k - y1k) * (x2k - x1k)

        @plsc.parallel_loop(0, nvec, unroll=8, carry=(maxv0, maxi0))
        def fuse(j, c2):
            mv, mi = c2
            off = (nvec - 1 - j) * LANES
            sl = pl.ds(off, LANES)
            w = work[sl]
            iy1 = jnp.maximum(wy1[sl], y1k)
            ix1 = jnp.maximum(wx1[sl], x1k)
            iy2 = jnp.minimum(wy2[sl], y2k)
            ix2 = jnp.minimum(wx2[sl], x2k)
            inter = jnp.maximum(iy2 - iy1, 0.0) * jnp.maximum(ix2 - ix1, 0.0)
            w2 = jnp.where(3.0 * inter > warea[sl] + area_k, NEG, w)
            work[sl] = w2
            upd = w2 >= mv
            return jnp.where(upd, w2, mv), jnp.where(upd, off + lane, mi)

        return fuse

    lax.fori_loop(0, MAX_OUT, round_body, (maxv, maxi))

    @pl.when(sid == 0)
    def _():
        pltpu.sync_copy(rec, out_hbm)


@jax.jit
def kernel(scores, boxes, classes):
    n = scores.shape[0]
    nvec = -(-n // (NSUB * LANES))
    per = nvec * LANES
    npad = per * NSUB
    pad = npad - n

    f32 = jnp.float32
    s_p = jnp.concatenate([scores.astype(f32), jnp.full((pad,), -1.0, f32)])
    y1_p = jnp.concatenate([boxes[:, 0].astype(f32), jnp.zeros((pad,), f32)])
    x1_p = jnp.concatenate([boxes[:, 1].astype(f32), jnp.zeros((pad,), f32)])
    y2_p = jnp.concatenate([boxes[:, 2].astype(f32), jnp.zeros((pad,), f32)])
    x2_p = jnp.concatenate([boxes[:, 3].astype(f32), jnp.zeros((pad,), f32)])
    c_p = jnp.concatenate([classes.astype(f32), jnp.zeros((pad,), f32)])

    mesh = plsc.VectorSubcoreMesh(
        core_axis_name="c", subcore_axis_name="s", num_cores=1,
        num_subcores=NSUB)

    run = pl.kernel(
        functools.partial(_nms_body, per, nvec),
        out_type=jax.ShapeDtypeStruct((MAX_OUT * LANES,), f32),
        mesh=mesh,
        compiler_params=pltpu.CompilerParams(needs_layout_passes=False),
        scratch_types=[
            pltpu.VMEM((per,), f32),
            pltpu.VMEM((per,), f32),
            pltpu.VMEM((per,), f32),
            pltpu.VMEM((per,), f32),
            pltpu.VMEM((per,), f32),
            pltpu.VMEM((per,), f32),
            pltpu.VMEM((per,), f32),
            pltpu.VMEM((LANES,), f32),
            pltpu.VMEM((NSUB * ROW,), f32),
            pltpu.VMEM((MAX_OUT * LANES,), f32),
            pltpu.VMEM_SHARED((2 * NSUB * ROW,), f32),
        ],
    )
    rec = run(s_p, y1_p, x1_p, y2_p, x2_p, c_p).reshape(MAX_OUT, LANES)
    return rec[:, 0], rec[:, 1:5], rec[:, 5]

# --- scband reference (transcript-rebuilt; emitter-appended) ---
"""Pipeline reference for scband-my-model-87522843560086 (READ-ONLY COPY).

The authoritative reference and input builder live on the scoring server;
editing this copy changes nothing except your own understanding.
"""

import jax, jax.numpy as jnp
import numpy as np

MAX_BOXES = 100
IOU_THR = 0.5
SCORE_THR = 0.1
N = 20000


def setup_inputs(seed: int = 0) -> dict:
    key = jax.random.key(seed)
    k1, k2, k3 = jax.random.split(key, 3)
    scores = jax.random.uniform(k1, (N,), dtype=jnp.float32)
    raw = jax.random.uniform(k2, (N, 4), dtype=jnp.float32)
    # build well-formed boxes (y1<=y2, x1<=x2) from uniform raw values
    ys = jnp.sort(raw[:, :2] * 512.0, axis=1)
    xs = jnp.sort(raw[:, 2:] * 512.0, axis=1)
    boxes = jnp.stack([ys[:, 0], xs[:, 0], ys[:, 1], xs[:, 1]], axis=1)
    classes = jnp.floor(jax.random.uniform(k3, (N,), dtype=jnp.float32) * 80.0)
    return {"scores": scores, "boxes": boxes, "classes": classes}


def _nms_indices(boxes, scores, max_out, iou_thr, score_thr):
    # Greedy NMS matching tf.image.non_max_suppression semantics (soft_nms_sigma=0),
    # padded to fixed size max_out with a validity mask (XLA needs static shapes).
    y1, x1, y2, x2 = boxes[:, 0], boxes[:, 1], boxes[:, 2], boxes[:, 3]
    areas = (y2 - y1) * (x2 - x1)
    work = jnp.where(scores >= score_thr, scores, -jnp.inf)

    def body(i, state):
        work, sel, val = state
        idx = jnp.argmax(work)
        ok = work[idx] > -jnp.inf
        sel = sel.at[i].set(jnp.where(ok, idx, 0).astype(jnp.int32))
        val = val.at[i].set(ok)
        iy1 = jnp.maximum(y1, y1[idx])
        ix1 = jnp.maximum(x1, x1[idx])
        iy2 = jnp.minimum(y2, y2[idx])
        ix2 = jnp.minimum(x2, x2[idx])
        inter = jnp.maximum(iy2 - iy1, 0.0) * jnp.maximum(ix2 - ix1, 0.0)
        union = areas + areas[idx] - inter
        iou = jnp.where(union > 0.0, inter / union, 0.0)
        work = jnp.where(ok & (iou > iou_thr), -jnp.inf, work)
        work = work.at[idx].set(-jnp.inf)
        return work, sel, val

    sel0 = jnp.zeros((max_out,), dtype=jnp.int32)
    val0 = jnp.zeros((max_out,), dtype=bool)
    work, sel, val = jax.lax.fori_loop(0, max_out, body, (work, sel0, val0))
    return sel, val


def reference(scores, boxes, classes):
    sel, val = _nms_indices(boxes, scores, MAX_BOXES, IOU_THR, SCORE_THR)
    filtered_scores = jnp.where(val, jnp.take(scores, sel), 0.0)
    filtered_boxes = jnp.take(boxes, sel, axis=0) * val[:, None].astype(boxes.dtype)
    filtered_classes = jnp.where(val, jnp.take(classes, sel), 0.0)
    return (filtered_scores, filtered_boxes, filtered_classes)

if __name__ == "__main__":
    import jax
    _d = setup_inputs()
    print(jax.jit(kernel)(*tuple(_d.values())))

</pallas_src>

<mosaic_0001>
#map = affine_map<(d0, d1) -> (0)>
module attributes {stable_mosaic.version = 14 : i64} {
  func.func @_nms_body(%arg0: i32, %arg1: i32, %arg2: memref<20224xf32, #tpu.memory_space<hbm>>, %arg3: memref<20224xf32, #tpu.memory_space<hbm>>, %arg4: memref<20224xf32, #tpu.memory_space<hbm>>, %arg5: memref<20224xf32, #tpu.memory_space<hbm>>, %arg6: memref<20224xf32, #tpu.memory_space<hbm>>, %arg7: memref<20224xf32, #tpu.memory_space<hbm>>, %arg8: memref<1600xf32, #tpu.memory_space<hbm>>, %arg9: memref<1264xf32, #tpu.memory_space<vmem>>, %arg10: memref<1264xf32, #tpu.memory_space<vmem>>, %arg11: memref<1264xf32, #tpu.memory_space<vmem>>, %arg12: memref<1264xf32, #tpu.memory_space<vmem>>, %arg13: memref<1264xf32, #tpu.memory_space<vmem>>, %arg14: memref<1264xf32, #tpu.memory_space<vmem>>, %arg15: memref<1264xf32, #tpu.memory_space<vmem>>, %arg16: memref<16xf32, #tpu.memory_space<vmem>>, %arg17: memref<128xf32, #tpu.memory_space<vmem>>, %arg18: memref<1600xf32, #tpu.memory_space<vmem>>, %arg19: memref<256xf32, #tpu.memory_space<vmem_shared>>) attributes {dimension_semantics = [#tpu.dimension_semantics<core_parallel>, #tpu.dimension_semantics<subcore_parallel>], iteration_bounds = array<i64: 1, 16>, scalar_prefetch = 0 : i64, scratch_operands = 11 : i64, tpu.core_type = #tpu.core_type<sc_vector_subcore>, window_params = [{transform_indices = #map}, {transform_indices = #map}, {transform_indices = #map}, {transform_indices = #map}, {transform_indices = #map}, {transform_indices = #map}, {transform_indices = #map}]} {
    %mul3A = arith.constant 1264 : i32
    %mul3A_0 = arith.muli %arg1, %mul3A : i32
    %iota3A = tpu.iota {dimensions = array<i32: 0>} : vector<16xi32>
    "tpu.region"() ({
      %run_scoped3A = tpu.sem_alloc : memref<!tpu.dma_semaphore, #tpu.memory_space<semaphore_mem>>
      %dma_start3A = tpu.memref_slice %arg2[%mul3A_0] : memref<20224xf32, #tpu.memory_space<hbm>> -> memref<1264xf32, #tpu.memory_space<hbm>>
      %dma_start3A_17 = tpu.memref_slice %arg2[%mul3A_0] : memref<20224xf32, #tpu.memory_space<hbm>> -> memref<1264xf32, #tpu.memory_space<hbm>>
      tpu.enqueue_dma source(%dma_start3A_17 : memref<1264xf32, #tpu.memory_space<hbm>>) target(%arg9 : memref<1264xf32, #tpu.memory_space<vmem>>) target_semaphore(%run_scoped3A : memref<!tpu.dma_semaphore, #tpu.memory_space<semaphore_mem>>)
      %dma_wait3A = tpu.memref_slice %arg2[%mul3A_0] : memref<20224xf32, #tpu.memory_space<hbm>> -> memref<1264xf32, #tpu.memory_space<hbm>>
      %dma_wait3A_18 = tpu.memref_slice %arg2[%mul3A_0] : memref<20224xf32, #tpu.memory_space<hbm>> -> memref<1264xf32, #tpu.memory_space<hbm>>
      tpu.wait_dma2 semaphore(%run_scoped3A : memref<!tpu.dma_semaphore, #tpu.memory_space<semaphore_mem>>) src(%dma_wait3A_18 : memref<1264xf32, #tpu.memory_space<hbm>>) dst(%arg9 : memref<1264xf32, #tpu.memory_space<vmem>>)
      tpu.yield
    }) : () -> ()
    "tpu.region"() ({
      %run_scoped3A = tpu.sem_alloc : memref<!tpu.dma_semaphore, #tpu.memory_space<semaphore_mem>>
      %dma_start3A = tpu.memref_slice %arg3[%mul3A_0] : memref<20224xf32, #tpu.memory_space<hbm>> -> memref<1264xf32, #tpu.memory_space<hbm>>
      %dma_start3A_17 = tpu.memref_slice %arg3[%mul3A_0] : memref<20224xf32, #tpu.memory_space<hbm>> -> memref<1264xf32, #tpu.memory_space<hbm>>
      tpu.enqueue_dma source(%dma_start3A_17 : memref<1264xf32, #tpu.memory_space<hbm>>) target(%arg10 : memref<1264xf32, #tpu.memory_space<vmem>>) target_semaphore(%run_scoped3A : memref<!tpu.dma_semaphore, #tpu.memory_space<semaphore_mem>>)
      %dma_wait3A = tpu.memref_slice %arg3[%mul3A_0] : memref<20224xf32, #tpu.memory_space<hbm>> -> memref<1264xf32, #tpu.memory_space<hbm>>
      %dma_wait3A_18 = tpu.memref_slice %arg3[%mul3A_0] : memref<20224xf32, #tpu.memory_space<hbm>> -> memref<1264xf32, #tpu.memory_space<hbm>>
      tpu.wait_dma2 semaphore(%run_scoped3A : memref<!tpu.dma_semaphore, #tpu.memory_space<semaphore_mem>>) src(%dma_wait3A_18 : memref<1264xf32, #tpu.memory_space<hbm>>) dst(%arg10 : memref<1264xf32, #tpu.memory_space<vmem>>)
      tpu.yield
    }) : () -> ()
    "tpu.region"() ({
      %run_scoped3A = tpu.sem_alloc : memref<!tpu.dma_semaphore, #tpu.memory_space<semaphore_mem>>
      %dma_start3A = tpu.memref_slice %arg4[%mul3A_0] : memref<20224xf32, #tpu.memory_space<hbm>> -> memref<1264xf32, #tpu.memory_space<hbm>>
      %dma_start3A_17 = tpu.memref_slice %arg4[%mul3A_0] : memref<20224xf32, #tpu.memory_space<hbm>> -> memref<1264xf32, #tpu.memory_space<hbm>>
      tpu.enqueue_dma source(%dma_start3A_17 : memref<1264xf32, #tpu.memory_space<hbm>>) target(%arg11 : memref<1264xf32, #tpu.memory_space<vmem>>) target_semaphore(%run_scoped3A : memref<!tpu.dma_semaphore, #tpu.memory_space<semaphore_mem>>)
      %dma_wait3A = tpu.memref_slice %arg4[%mul3A_0] : memref<20224xf32, #tpu.memory_space<hbm>> -> memref<1264xf32, #tpu.memory_space<hbm>>
      %dma_wait3A_18 = tpu.memref_slice %arg4[%mul3A_0] : memref<20224xf32, #tpu.memory_space<hbm>> -> memref<1264xf32, #tpu.memory_space<hbm>>
      tpu.wait_dma2 semaphore(%run_scoped3A : memref<!tpu.dma_semaphore, #tpu.memory_space<semaphore_mem>>) src(%dma_wait3A_18 : memref<1264xf32, #tpu.memory_space<hbm>>) dst(%arg11 : memref<1264xf32, #tpu.memory_space<vmem>>)
      tpu.yield
    }) : () -> ()
    "tpu.region"() ({
      %run_scoped3A = tpu.sem_alloc : memref<!tpu.dma_semaphore, #tpu.memory_space<semaphore_mem>>
      %dma_start3A = tpu.memref_slice %arg5[%mul3A_0] : memref<20224xf32, #tpu.memory_space<hbm>> -> memref<1264xf32, #tpu.memory_space<hbm>>
      %dma_start3A_17 = tpu.memref_slice %arg5[%mul3A_0] : memref<20224xf32, #tpu.memory_space<hbm>> -> memref<1264xf32, #tpu.memory_space<hbm>>
      tpu.enqueue_dma source(%dma_start3A_17 : memref<1264xf32, #tpu.memory_space<hbm>>) target(%arg12 : memref<1264xf32, #tpu.memory_space<vmem>>) target_semaphore(%run_scoped3A : memref<!tpu.dma_semaphore, #tpu.memory_space<semaphore_mem>>)
      %dma_wait3A = tpu.memref_slice %arg5[%mul3A_0] : memref<20224xf32, #tpu.memory_space<hbm>> -> memref<1264xf32, #tpu.memory_space<hbm>>
      %dma_wait3A_18 = tpu.memref_slice %arg5[%mul3A_0] : memref<20224xf32, #tpu.memory_space<hbm>> -> memref<1264xf32, #tpu.memory_space<hbm>>
      tpu.wait_dma2 semaphore(%run_scoped3A : memref<!tpu.dma_semaphore, #tpu.memory_space<semaphore_mem>>) src(%dma_wait3A_18 : memref<1264xf32, #tpu.memory_space<hbm>>) dst(%arg12 : memref<1264xf32, #tpu.memory_space<vmem>>)
      tpu.yield
    }) : () -> ()
    "tpu.region"() ({
      %run_scoped3A = tpu.sem_alloc : memref<!tpu.dma_semaphore, #tpu.memory_space<semaphore_mem>>
      %dma_start3A = tpu.memref_slice %arg6[%mul3A_0] : memref<20224xf32, #tpu.memory_space<hbm>> -> memref<1264xf32, #tpu.memory_space<hbm>>
      %dma_start3A_17 = tpu.memref_slice %arg6[%mul3A_0] : memref<20224xf32, #tpu.memory_space<hbm>> -> memref<1264xf32, #tpu.memory_space<hbm>>
      tpu.enqueue_dma source(%dma_start3A_17 : memref<1264xf32, #tpu.memory_space<hbm>>) target(%arg13 : memref<1264xf32, #tpu.memory_space<vmem>>) target_semaphore(%run_scoped3A : memref<!tpu.dma_semaphore, #tpu.memory_space<semaphore_mem>>)
      %dma_wait3A = tpu.memref_slice %arg6[%mul3A_0] : memref<20224xf32, #tpu.memory_space<hbm>> -> memref<1264xf32, #tpu.memory_space<hbm>>
      %dma_wait3A_18 = tpu.memref_slice %arg6[%mul3A_0] : memref<20224xf32, #tpu.memory_space<hbm>> -> memref<1264xf32, #tpu.memory_space<hbm>>
      tpu.wait_dma2 semaphore(%run_scoped3A : memref<!tpu.dma_semaphore, #tpu.memory_space<semaphore_mem>>) src(%dma_wait3A_18 : memref<1264xf32, #tpu.memory_space<hbm>>) dst(%arg13 : memref<1264xf32, #tpu.memory_space<vmem>>)
      tpu.yield
    }) : () -> ()
    "tpu.region"() ({
      %run_scoped3A = tpu.sem_alloc : memref<!tpu.dma_semaphore, #tpu.memory_space<semaphore_mem>>
      %dma_start3A = tpu.memref_slice %arg7[%mul3A_0] : memref<20224xf32, #tpu.memory_space<hbm>> -> memref<1264xf32, #tpu.memory_space<hbm>>
      %dma_start3A_17 = tpu.memref_slice %arg7[%mul3A_0] : memref<20224xf32, #tpu.memory_space<hbm>> -> memref<1264xf32, #tpu.memory_space<hbm>>
      tpu.enqueue_dma source(%dma_start3A_17 : memref<1264xf32, #tpu.memory_space<hbm>>) target(%arg15 : memref<1264xf32, #tpu.memory_space<vmem>>) target_semaphore(%run_scoped3A : memref<!tpu.dma_semaphore, #tpu.memory_space<semaphore_mem>>)
      %dma_wait3A = tpu.memref_slice %arg7[%mul3A_0] : memref<20224xf32, #tpu.memory_space<hbm>> -> memref<1264xf32, #tpu.memory_space<hbm>>
      %dma_wait3A_18 = tpu.memref_slice %arg7[%mul3A_0] : memref<20224xf32, #tpu.memory_space<hbm>> -> memref<1264xf32, #tpu.memory_space<hbm>>
      tpu.wait_dma2 semaphore(%run_scoped3A : memref<!tpu.dma_semaphore, #tpu.memory_space<semaphore_mem>>) src(%dma_wait3A_18 : memref<1264xf32, #tpu.memory_space<hbm>>) dst(%arg15 : memref<1264xf32, #tpu.memory_space<vmem>>)
      tpu.yield
    }) : () -> ()
    %broadcast_in_dim3A = arith.constant -1.000000e+30 : f32
    %broadcast_in_dim3A_1 = vector.broadcast %broadcast_in_dim3A : f32 to vector<16xf32>
    %broadcast_in_dim3A_2 = arith.constant 0 : i32
    %broadcast_in_dim3A_3 = vector.broadcast %broadcast_in_dim3A_2 : i32 to vector<16xi32>
    %scan3A = arith.constant 0 : i32
    %scan3A_4 = arith.constant 79 : i32
    %scan3A_5 = arith.addi %scan3A, %scan3A_4 : i32
    %scan3A_6 = arith.constant 1 : i32
    %scan3A_7:2 = scf.for %scan3A_17 = %scan3A to %scan3A_5 step %scan3A_6 iter_args(%scan3A_18 = %broadcast_in_dim3A_1, %scan3A_19 = %broadcast_in_dim3A_3) -> (vector<16xf32>, vector<16xi32>)  : i32 {
      %mul3A_20 = arith.constant 16 : i32
      %mul3A_21 = arith.muli %scan3A_17, %mul3A_20 : i32
      %get3A = arith.index_cast %mul3A_21 : i32 to index
      %get3A_22 = tpu.vector_load %arg9[%get3A] {strides = array<i32>} : memref<1264xf32, #tpu.memory_space<vmem>>, vector<16xf32>,
      %ge3A = arith.constant 1.000000e-01 : f32
      %ge3A_23 = vector.broadcast %ge3A : f32 to vector<16xf32>
      %ge3A_24 = arith.cmpf oge, %get3A_22, %ge3A_23 : vector<16xf32>
      %jit3A = arith.constant -1.000000e+30 : f32
      %broadcast_in_dim3A_25 = vector.broadcast %jit3A : f32 to vector<16xf32>
      %select_n3A = arith.select %ge3A_24, %get3A_22, %broadcast_in_dim3A_25 : vector<16xi1>, vector<16xf32>
      %swap3A = arith.index_cast %mul3A_21 : i32 to index
      %swap3A_26 = tpu.vector_load %arg9[%swap3A] {strides = array<i32>} : memref<1264xf32, #tpu.memory_space<vmem>>, vector<16xf32>,
      tpu.vector_store %arg9[%swap3A], %select_n3A {strides = array<i32>} : memref<1264xf32, #tpu.memory_space<vmem>>, vector<16xf32>,
      %get3A_27 = arith.index_cast %mul3A_21 : i32 to index
      %get3A_28 = tpu.vector_load %arg12[%get3A_27] {strides = array<i32>} : memref<1264xf32, #tpu.memory_space<vmem>>, vector<16xf32>,
      %get3A_29 = arith.index_cast %mul3A_21 : i32 to index
      %get3A_30 = tpu.vector_load %arg10[%get3A_29] {strides = array<i32>} : memref<1264xf32, #tpu.memory_space<vmem>>, vector<16xf32>,
      %sub3A = arith.subf %get3A_28, %get3A_30 : vector<16xf32>
      %get3A_31 = arith.index_cast %mul3A_21 : i32 to index
      %get3A_32 = tpu.vector_load %arg13[%get3A_31] {strides = array<i32>} : memref<1264xf32, #tpu.memory_space<vmem>>, vector<16xf32>,
      %get3A_33 = arith.index_cast %mul3A_21 : i32 to index
      %get3A_34 = tpu.vector_load %arg11[%get3A_33] {strides = array<i32>} : memref<1264xf32, #tpu.memory_space<vmem>>, vector<16xf32>,
      %sub3A_35 = arith.subf %get3A_32, %get3A_34 : vector<16xf32>
      %mul3A_36 = arith.mulf %sub3A, %sub3A_35 : vector<16xf32>
      %swap3A_37 = arith.index_cast %mul3A_21 : i32 to index
      %swap3A_38 = tpu.vector_load %arg14[%swap3A_37] {strides = array<i32>} : memref<1264xf32, #tpu.memory_space<vmem>>, vector<16xf32>,
      tpu.vector_store %arg14[%swap3A_37], %mul3A_36 {strides = array<i32>} : memref<1264xf32, #tpu.memory_space<vmem>>, vector<16xf32>,
      %add3A = vector.broadcast %mul3A_21 : i32 to vector<16xi32>
      %add3A_39 = arith.addi %add3A, %iota3A : vector<16xi32>
      %gt3A = arith.cmpf ogt, %select_n3A, %scan3A_18 : vector<16xf32>
      %eq3A_40 = arith.cmpf oeq, %select_n3A, %scan3A_18 : vector<16xf32>
      %lt3A = arith.cmpi slt, %add3A_39, %scan3A_19 : vector<16xi32>
      %and3A = arith.andi %eq3A_40, %lt3A : vector<16xi1>
      %or3A = arith.ori %gt3A, %and3A : vector<16xi1>
      %select_n3A_41 = arith.select %or3A, %select_n3A, %scan3A_18 : vector<16xi1>, vector<16xf32>
      %select_n3A_42 = arith.select %or3A, %add3A_39, %scan3A_19 : vector<16xi1>, vector<16xi32>
      scf.yield %select_n3A_41, %select_n3A_42 : vector<16xf32>, vector<16xi32>
    }
    %scan3A_8 = arith.constant 79 : i32
    %scan3A_9 = arith.constant 0 : i32
    %scan3A_10 = arith.constant 100 : i32
    %scan3A_11 = arith.addi %scan3A_9, %scan3A_10 : i32
    %scan3A_12 = arith.constant 1 : i32
    %scan3A_13:2 = scf.for %scan3A_17 = %scan3A_9 to %scan3A_11 step %scan3A_12 iter_args(%scan3A_18 = %scan3A_7#0, %scan3A_19 = %scan3A_7#1) -> (vector<16xf32>, vector<16xi32>)  : i32 {
      %jit3A = arith.constant 2 : i32
      %eq3A_20 = arith.constant 0 : i32
      %eq3A_21 = arith.cmpi eq, %jit3A, %eq3A_20 : i32
      %jit3A_22 = arith.constant 1 : i32
      %select_n3A = arith.select %eq3A_21, %jit3A_22, %jit3A : i32
      %rem3A = arith.remsi %scan3A_17, %select_n3A : i32
      %ne3A = arith.constant 0 : i32
      %ne3A_23 = arith.cmpi ne, %rem3A, %ne3A : i32
      %lt3A = arith.constant 0 : i32
      %lt3A_24 = arith.cmpi slt, %rem3A, %lt3A : i32
      %lt3A_25 = arith.constant 0 : i32
      %lt3A_26 = arith.cmpi slt, %select_n3A, %lt3A_25 : i32
      %ne3A_27 = arith.xori %lt3A_24, %lt3A_26 : i1
      %and3A = arith.andi %ne3A_27, %ne3A_23 : i1
      %add3A = arith.addi %rem3A, %select_n3A : i32
      %select_n3A_28 = arith.select %and3A, %add3A, %rem3A : i32
      %mul3A_29 = arith.constant 128 : i32
      %mul3A_30 = arith.muli %select_n3A_28, %mul3A_29 : i32
      %reduce_max3A = arith.constant true
      %reduce_max3A_31 = vector.broadcast %reduce_max3A : i1 to vector<16xi1>
      %reduce_max3A_32 = tpu.scan <max>, %scan3A_18 masked %reduce_max3A_31 : vector<16xf32>, vector<16xi1> -> vector<16xf32>
      %reduce_max3A_33 = vector.extract %reduce_max3A_32[15] : f32 from vector<16xf32>
      %eq3A_34 = vector.broadcast %reduce_max3A_33 : f32 to vector<16xf32>
      %eq3A_35 = arith.cmpf oeq, %scan3A_18, %eq3A_34 : vector<16xf32>
      %jit3A_36 = arith.constant 1073741824 : i32
      %broadcast_in_dim3A_37 = vector.broadcast %jit3A_36 : i32 to vector<16xi32>
      %select_n3A_38 = arith.select %eq3A_35, %scan3A_19, %broadcast_in_dim3A_37 : vector<16xi1>, vector<16xi32>
      %reduce_min3A = arith.constant true
      %reduce_min3A_39 = vector.broadcast %reduce_min3A : i1 to vector<16xi1>
      %reduce_min3A_40 = arith.constant -2147483648 : i32
      %reduce_min3A_41 = vector.broadcast %reduce_min3A_40 : i32 to vector<16xi32>
      %reduce_min3A_42 = arith.xori %select_n3A_38, %reduce_min3A_41 : vector<16xi32>
      %reduce_min3A_43 = tpu.scan <min>, %reduce_min3A_42 masked %reduce_min3A_39 : vector<16xi32>, vector<16xi1> -> vector<16xi32>
      %reduce_min3A_44 = arith.xori %reduce_min3A_43, %reduce_min3A_41 : vector<16xi32>
      %reduce_min3A_45 = vector.extract %reduce_min3A_44[15] : i32 from vector<16xi32>
      %broadcast_in_dim3A_46 = vector.broadcast %reduce_min3A_45 : i32 to vector<16xi32>
      %gather3A = tpu.vector_load_idx %arg10[%broadcast_in_dim3A_46] : memref<1264xf32, #tpu.memory_space<vmem>>[vector<16xi32>], vector<16xf32>,
      %gather3A_47 = tpu.vector_load_idx %arg11[%broadcast_in_dim3A_46] : memref<1264xf32, #tpu.memory_space<vmem>>[vector<16xi32>], vector<16xf32>,
      %gather3A_48 = tpu.vector_load_idx %arg12[%broadcast_in_dim3A_46] : memref<1264xf32, #tpu.memory_space<vmem>>[vector<16xi32>], vector<16xf32>,
      %gather3A_49 = tpu.vector_load_idx %arg13[%broadcast_in_dim3A_46] : memref<1264xf32, #tpu.memory_space<vmem>>[vector<16xi32>], vector<16xf32>,
      %gather3A_50 = tpu.vector_load_idx %arg15[%broadcast_in_dim3A_46] : memref<1264xf32, #tpu.memory_space<vmem>>[vector<16xi32>], vector<16xf32>,
      %add3A_51 = arith.addi %reduce_min3A_45, %mul3A_0 : i32
      %convert_element_type3A_52 = arith.sitofp %add3A_51 : i32 to f32
      %eq3A_53 = arith.constant 0 : i32
      %eq3A_54 = vector.broadcast %eq3A_53 : i32 to vector<16xi32>
      %eq3A_55 = arith.cmpi eq, %iota3A, %eq3A_54 : vector<16xi32>
      %jit3A_56 = arith.constant 0.000000e+00 : f32
      %broadcast_in_dim3A_57 = vector.broadcast %reduce_max3A_33 : f32 to vector<16xf32>
      %broadcast_in_dim3A_58 = vector.broadcast %jit3A_56 : f32 to vector<16xf32>
      %select_n3A_59 = arith.select %eq3A_55, %broadcast_in_dim3A_57, %broadcast_in_dim3A_58 : vector<16xi1>, vector<16xf32>
      %eq3A_60 = arith.constant 1 : i32
      %eq3A_61 = vector.broadcast %eq3A_60 : i32 to vector<16xi32>
      %eq3A_62 = arith.cmpi eq, %iota3A, %eq3A_61 : vector<16xi32>
      %broadcast_in_dim3A_63 = vector.broadcast %convert_element_type3A_52 : f32 to vector<16xf32>
      %select_n3A_64 = arith.select %eq3A_62, %broadcast_in_dim3A_63, %select_n3A_59 : vector<16xi1>, vector<16xf32>
      %eq3A_65 = arith.constant 2 : i32
      %eq3A_66 = vector.broadcast %eq3A_65 : i32 to vector<16xi32>
      %eq3A_67 = arith.cmpi eq, %iota3A, %eq3A_66 : vector<16xi32>
      %select_n3A_68 = arith.select %eq3A_67, %gather3A, %select_n3A_64 : vector<16xi1>, vector<16xf32>
      %eq3A_69 = arith.constant 3 : i32
      %eq3A_70 = vector.broadcast %eq3A_69 : i32 to vector<16xi32>
      %eq3A_71 = arith.cmpi eq, %iota3A, %eq3A_70 : vector<16xi32>
      %select_n3A_72 = arith.select %eq3A_71, %gather3A_47, %select_n3A_68 : vector<16xi1>, vector<16xf32>
      %eq3A_73 = arith.constant 4 : i32
      %eq3A_74 = vector.broadcast %eq3A_73 : i32 to vector<16xi32>
      %eq3A_75 = arith.cmpi eq, %iota3A, %eq3A_74 : vector<16xi32>
      %select_n3A_76 = arith.select %eq3A_75, %gather3A_48, %select_n3A_72 : vector<16xi1>, vector<16xf32>
      %eq3A_77 = arith.constant 5 : i32
      %eq3A_78 = vector.broadcast %eq3A_77 : i32 to vector<16xi32>
      %eq3A_79 = arith.cmpi eq, %iota3A, %eq3A_78 : vector<16xi32>
      %select_n3A_80 = arith.select %eq3A_79, %gather3A_49, %select_n3A_76 : vector<16xi1>, vector<16xf32>
      %eq3A_81 = arith.constant 6 : i32
      %eq3A_82 = vector.broadcast %eq3A_81 : i32 to vector<16xi32>
      %eq3A_83 = arith.cmpi eq, %iota3A, %eq3A_82 : vector<16xi32>
      %select_n3A_84 = arith.select %eq3A_83, %gather3A_50, %select_n3A_80 : vector<16xi1>, vector<16xf32>
      %swap3A = arith.constant 0 : index
      %swap3A_85 = tpu.vector_load %arg16[%swap3A] {strides = array<i32>} : memref<16xf32, #tpu.memory_space<vmem>>, vector<16xf32>,
      tpu.vector_store %arg16[%swap3A], %select_n3A_84 {strides = array<i32>} : memref<16xf32, #tpu.memory_space<vmem>>, vector<16xf32>,
      %mul3A_86 = arith.constant 8 : i32
      %mul3A_87 = arith.muli %arg1, %mul3A_86 : i32
      %add3A_88 = arith.addi %mul3A_30, %mul3A_87 : i32
      "tpu.region"() ({
        %run_scoped3A = tpu.sem_alloc : memref<!tpu.dma_semaphore, #tpu.memory_space<semaphore_mem>>
        %dma_start3A = arith.constant 0 : i32
        %dma_start3A_223 = tpu.memref_slice %arg16[%dma_start3A] : memref<16xf32, #tpu.memory_space<vmem>> -> memref<8xf32, #tpu.memory_space<vmem>>
        %dma_start3A_224 = tpu.memref_slice %arg19[%add3A_88] : memref<256xf32, #tpu.memory_space<vmem_shared>> -> memref<8xf32, #tpu.memory_space<vmem_shared>>
        %dma_start3A_225 = tpu.memref_slice %arg19[%add3A_88] : memref<256xf32, #tpu.memory_space<vmem_shared>> -> memref<8xf32, #tpu.memory_space<vmem_shared>>
        %dma_start3A_226 = arith.constant 0 : i32
        %dma_start3A_227 = tpu.memref_slice %arg16[%dma_start3A_226] : memref<16xf32, #tpu.memory_space<vmem>> -> memref<8xf32, #tpu.memory_space<vmem>>
        tpu.enqueue_dma source(%dma_start3A_227 : memref<8xf32, #tpu.memory_space<vmem>>) target(%dma_start3A_225 : memref<8xf32, #tpu.memory_space<vmem_shared>>) target_semaphore(%run_scoped3A : memref<!tpu.dma_semaphore, #tpu.memory_space<semaphore_mem>>)
        %dma_wait3A = arith.constant 0 : i32
        %dma_wait3A_228 = tpu.memref_slice %arg16[%dma_wait3A] : memref<16xf32, #tpu.memory_space<vmem>> -> memref<8xf32, #tpu.memory_space<vmem>>
        %dma_wait3A_229 = tpu.memref_slice %arg19[%add3A_88] : memref<256xf32, #tpu.memory_space<vmem_shared>> -> memref<8xf32, #tpu.memory_space<vmem_shared>>
        %dma_wait3A_230 = tpu.memref_slice %arg19[%add3A_88] : memref<256xf32, #tpu.memory_space<vmem_shared>> -> memref<8xf32, #tpu.memory_space<vmem_shared>>
        %dma_wait3A_231 = arith.constant 0 : i32
        %dma_wait3A_232 = tpu.memref_slice %arg16[%dma_wait3A_231] : memref<16xf32, #tpu.memory_space<vmem>> -> memref<8xf32, #tpu.memory_space<vmem>>
        tpu.wait_dma2 semaphore(%run_scoped3A : memref<!tpu.dma_semaphore, #tpu.memory_space<semaphore_mem>>) src(%dma_wait3A_232 : memref<8xf32, #tpu.memory_space<vmem>>) dst(%dma_wait3A_230 : memref<8xf32, #tpu.memory_space<vmem_shared>>)
        tpu.yield
      }) : () -> ()
      %barrier3A = arith.constant 0 : index
      tpu.barrier barrier_id(%barrier3A)
      "tpu.region"() ({
        %run_scoped3A = tpu.sem_alloc : memref<!tpu.dma_semaphore, #tpu.memory_space<semaphore_mem>>
        %dma_start3A = tpu.memref_slice %arg19[%mul3A_30] : memref<256xf32, #tpu.memory_space<vmem_shared>> -> memref<128xf32, #tpu.memory_space<vmem_shared>>
        %dma_start3A_223 = tpu.memref_slice %arg19[%mul3A_30] : memref<256xf32, #tpu.memory_space<vmem_shared>> -> memref<128xf32, #tpu.memory_space<vmem_shared>>
        tpu.enqueue_dma source(%dma_start3A_223 : memref<128xf32, #tpu.memory_space<vmem_shared>>) target(%arg17 : memref<128xf32, #tpu.memory_space<vmem>>) target_semaphore(%run_scoped3A : memref<!tpu.dma_semaphore, #tpu.memory_space<semaphore_mem>>)
        %dma_wait3A = tpu.memref_slice %arg19[%mul3A_30] : memref<256xf32, #tpu.memory_space<vmem_shared>> -> memref<128xf32, #tpu.memory_space<vmem_shared>>
        %dma_wait3A_224 = tpu.memref_slice %arg19[%mul3A_30] : memref<256xf32, #tpu.memory_space<vmem_shared>> -> memref<128xf32, #tpu.memory_space<vmem_shared>>
        tpu.wait_dma2 semaphore(%run_scoped3A : memref<!tpu.dma_semaphore, #tpu.memory_space<semaphore_mem>>) src(%dma_wait3A_224 : memref<128xf32, #tpu.memory_space<vmem_shared>>) dst(%arg17 : memref<128xf32, #tpu.memory_space<vmem>>)
        tpu.yield
      }) : () -> ()
      %mul3A_89 = arith.constant 8 : i32
      %mul3A_90 = vector.broadcast %mul3A_89 : i32 to vector<16xi32>
      %mul3A_91 = arith.muli %iota3A, %mul3A_90 : vector<16xi32>
      %gather3A_92 = tpu.vector_load_idx %arg17[%mul3A_91] : memref<128xf32, #tpu.memory_space<vmem>>[vector<16xi32>], vector<16xf32>,
      %add3A_93 = arith.constant 1 : i32
      %add3A_94 = vector.broadcast %add3A_93 : i32 to vector<16xi32>
      %add3A_95 = arith.addi %mul3A_91, %add3A_94 : vector<16xi32>
      %gather3A_96 = tpu.vector_load_idx %arg17[%add3A_95] : memref<128xf32, #tpu.memory_space<vmem>>[vector<16xi32>], vector<16xf32>,
      %reduce_max3A_97 = arith.constant true
      %reduce_max3A_98 = vector.broadcast %reduce_max3A_97 : i1 to vector<16xi1>
      %reduce_max3A_99 = tpu.scan <max>, %gather3A_92 masked %reduce_max3A_98 : vector<16xf32>, vector<16xi1> -> vector<16xf32>
      %reduce_max3A_100 = vector.extract %reduce_max3A_99[15] : f32 from vector<16xf32>
      %ge3A = arith.constant 1.000000e-01 : f32
      %ge3A_101 = arith.cmpf oge, %reduce_max3A_100, %ge3A : f32
      %eq3A_102 = vector.broadcast %reduce_max3A_100 : f32 to vector<16xf32>
      %eq3A_103 = arith.cmpf oeq, %gather3A_92, %eq3A_102 : vector<16xf32>
      %jit3A_104 = arith.constant 1.000000e+30 : f32
      %broadcast_in_dim3A_105 = vector.broadcast %jit3A_104 : f32 to vector<16xf32>
      %select_n3A_106 = arith.select %eq3A_103, %gather3A_96, %broadcast_in_dim3A_105 : vector<16xi1>, vector<16xf32>
      %reduce_min3A_107 = arith.constant true
      %reduce_min3A_108 = vector.broadcast %reduce_min3A_107 : i1 to vector<16xi1>
      %reduce_min3A_109 = tpu.scan <min>, %select_n3A_106 masked %reduce_min3A_108 : vector<16xf32>, vector<16xi1> -> vector<16xf32>
      %reduce_min3A_110 = vector.extract %reduce_min3A_109[15] : f32 from vector<16xf32>
      %convert_element_type3A_111 = arith.fptosi %reduce_min3A_110 : f32 to i32
      %jit3A_112 = arith.constant 1264 : i32
      %div3A = arith.divsi %convert_element_type3A_111, %jit3A_112 : i32
      %sign3A = arith.constant 0 : i32
      %sign3A_113 = arith.cmpi sgt, %convert_element_type3A_111, %sign3A : i32
      %sign3A_114 = arith.extui %sign3A_113 : i1 to i32
      %sign3A_115 = arith.constant 0 : i32
      %sign3A_116 = arith.cmpi slt, %convert_element_type3A_111, %sign3A_115 : i32
      %sign3A_117 = arith.extui %sign3A_116 : i1 to i32
      %sign3A_118 = arith.subi %sign3A_114, %sign3A_117 : i32
      %sign3A_119 = arith.constant 0 : i32
      %sign3A_120 = arith.cmpi sgt, %jit3A_112, %sign3A_119 : i32
      %sign3A_121 = arith.extui %sign3A_120 : i1 to i32
      %sign3A_122 = arith.constant 0 : i32
      %sign3A_123 = arith.cmpi slt, %jit3A_112, %sign3A_122 : i32
      %sign3A_124 = arith.extui %sign3A_123 : i1 to i32
      %sign3A_125 = arith.subi %sign3A_121, %sign3A_124 : i32
      %ne3A_126 = arith.cmpi ne, %sign3A_118, %sign3A_125 : i32
      %rem3A_127 = arith.remsi %convert_element_type3A_111, %jit3A_112 : i32
      %ne3A_128 = arith.constant 0 : i32
      %ne3A_129 = arith.cmpi ne, %rem3A_127, %ne3A_128 : i32
      %and3A_130 = arith.andi %ne3A_126, %ne3A_129 : i1
      %sub3A = arith.constant 1 : i32
      %sub3A_131 = arith.subi %div3A, %sub3A : i32
      %select_n3A_132 = arith.select %and3A_130, %sub3A_131, %div3A : i32
      %mul3A_133 = arith.constant 8 : i32
      %mul3A_134 = arith.muli %select_n3A_132, %mul3A_133 : i32
      %broadcast_in_dim3A_135 = vector.broadcast %mul3A_134 : i32 to vector<16xi32>
      %add3A_136 = arith.constant 2 : i32
      %add3A_137 = vector.broadcast %add3A_136 : i32 to vector<16xi32>
      %add3A_138 = arith.addi %broadcast_in_dim3A_135, %add3A_137 : vector<16xi32>
      %gather3A_139 = tpu.vector_load_idx %arg17[%add3A_138] : memref<128xf32, #tpu.memory_space<vmem>>[vector<16xi32>], vector<16xf32>,
      %add3A_140 = arith.constant 3 : i32
      %add3A_141 = vector.broadcast %add3A_140 : i32 to vector<16xi32>
      %add3A_142 = arith.addi %broadcast_in_dim3A_135, %add3A_141 : vector<16xi32>
      %gather3A_143 = tpu.vector_load_idx %arg17[%add3A_142] : memref<128xf32, #tpu.memory_space<vmem>>[vector<16xi32>], vector<16xf32>,
      %add3A_144 = arith.constant 4 : i32
      %add3A_145 = vector.broadcast %add3A_144 : i32 to vector<16xi32>
      %add3A_146 = arith.addi %broadcast_in_dim3A_135, %add3A_145 : vector<16xi32>
      %gather3A_147 = tpu.vector_load_idx %arg17[%add3A_146] : memref<128xf32, #tpu.memory_space<vmem>>[vector<16xi32>], vector<16xf32>,
      %add3A_148 = arith.constant 5 : i32
      %add3A_149 = vector.broadcast %add3A_148 : i32 to vector<16xi32>
      %add3A_150 = arith.addi %broadcast_in_dim3A_135, %add3A_149 : vector<16xi32>
      %gather3A_151 = tpu.vector_load_idx %arg17[%add3A_150] : memref<128xf32, #tpu.memory_space<vmem>>[vector<16xi32>], vector<16xf32>,
      %add3A_152 = arith.constant 6 : i32
      %add3A_153 = vector.broadcast %add3A_152 : i32 to vector<16xi32>
      %add3A_154 = arith.addi %broadcast_in_dim3A_135, %add3A_153 : vector<16xi32>
      %gather3A_155 = tpu.vector_load_idx %arg17[%add3A_154] : memref<128xf32, #tpu.memory_space<vmem>>[vector<16xi32>], vector<16xf32>,
      %eq3A_156 = arith.constant 0 : i32
      %eq3A_157 = vector.broadcast %eq3A_156 : i32 to vector<16xi32>
      %eq3A_158 = arith.cmpi eq, %iota3A, %eq3A_157 : vector<16xi32>
      %jit3A_159 = arith.constant 0.000000e+00 : f32
      %broadcast_in_dim3A_160 = vector.broadcast %reduce_max3A_100 : f32 to vector<16xf32>
      %broadcast_in_dim3A_161 = vector.broadcast %jit3A_159 : f32 to vector<16xf32>
      %select_n3A_162 = arith.select %eq3A_158, %broadcast_in_dim3A_160, %broadcast_in_dim3A_161 : vector<16xi1>, vector<16xf32>
      %eq3A_163 = arith.constant 1 : i32
      %eq3A_164 = vector.broadcast %eq3A_163 : i32 to vector<16xi32>
      %eq3A_165 = arith.cmpi eq, %iota3A, %eq3A_164 : vector<16xi32>
      %select_n3A_166 = arith.select %eq3A_165, %gather3A_139, %select_n3A_162 : vector<16xi1>, vector<16xf32>
      %eq3A_167 = arith.constant 2 : i32
      %eq3A_168 = vector.broadcast %eq3A_167 : i32 to vector<16xi32>
      %eq3A_169 = arith.cmpi eq, %iota3A, %eq3A_168 : vector<16xi32>
      %select_n3A_170 = arith.select %eq3A_169, %gather3A_143, %select_n3A_166 : vector<16xi1>, vector<16xf32>
      %eq3A_171 = arith.constant 3 : i32
      %eq3A_172 = vector.broadcast %eq3A_171 : i32 to vector<16xi32>
      %eq3A_173 = arith.cmpi eq, %iota3A, %eq3A_172 : vector<16xi32>
      %select_n3A_174 = arith.select %eq3A_173, %gather3A_147, %select_n3A_170 : vector<16xi1>, vector<16xf32>
      %eq3A_175 = arith.constant 4 : i32
      %eq3A_176 = vector.broadcast %eq3A_175 : i32 to vector<16xi32>
      %eq3A_177 = arith.cmpi eq, %iota3A, %eq3A_176 : vector<16xi32>
      %select_n3A_178 = arith.select %eq3A_177, %gather3A_151, %select_n3A_174 : vector<16xi1>, vector<16xf32>
      %eq3A_179 = arith.constant 5 : i32
      %eq3A_180 = vector.broadcast %eq3A_179 : i32 to vector<16xi32>
      %eq3A_181 = arith.cmpi eq, %iota3A, %eq3A_180 : vector<16xi32>
      %select_n3A_182 = arith.select %eq3A_181, %gather3A_155, %select_n3A_178 : vector<16xi1>, vector<16xf32>
      %jit3A_183 = arith.constant 0.000000e+00 : f32
      %broadcast_in_dim3A_184 = vector.broadcast %jit3A_183 : f32 to vector<16xf32>
      %select_n3A_185 = arith.select %ge3A_101, %select_n3A_182, %broadcast_in_dim3A_184 : vector<16xf32>
      %mul3A_186 = arith.constant 16 : i32
      %mul3A_187 = arith.muli %scan3A_17, %mul3A_186 : i32
      %swap3A_188 = arith.index_cast %mul3A_187 : i32 to index
      %swap3A_189 = tpu.vector_load %arg18[%swap3A_188] {strides = array<i32>} : memref<1600xf32, #tpu.memory_space<vmem>>, vector<16xf32>,
      tpu.vector_store %arg18[%swap3A_188], %select_n3A_185 {strides = array<i32>} : memref<1600xf32, #tpu.memory_space<vmem>>, vector<16xf32>,
      %sub3A_190 = arith.subi %convert_element_type3A_111, %mul3A_0 : i32
      %eq3A_191 = arith.cmpi eq, %select_n3A_132, %arg1 : i32
      %and3A_192 = arith.andi %ge3A_101, %eq3A_191 : i1
      %eq3A_193 = arith.constant 0 : i32
      %eq3A_194 = vector.broadcast %eq3A_193 : i32 to vector<16xi32>
      %eq3A_195 = arith.cmpi eq, %iota3A, %eq3A_194 : vector<16xi32>
      %and3A_196 = vector.broadcast %and3A_192 : i1 to vector<16xi1>
      %and3A_197 = arith.andi %and3A_196, %eq3A_195 : vector<16xi1>
      %broadcast_in_dim3A_198 = vector.broadcast %sub3A_190 : i32 to vector<16xi32>
      %jit3A_199 = arith.constant 0 : i32
      %jit3A_200 = arith.constant 1263 : i32
      %max3A = vector.broadcast %jit3A_199 : i32 to vector<16xi32>
      %max3A_201 = arith.maxsi %max3A, %broadcast_in_dim3A_198 : vector<16xi32>
      %min3A = vector.broadcast %jit3A_200 : i32 to vector<16xi32>
      %min3A_202 = arith.minsi %min3A, %max3A_201 : vector<16xi32>
      %broadcast_in_dim3A_203 = arith.constant -1.000000e+30 : f32
      %broadcast_in_dim3A_204 = vector.broadcast %broadcast_in_dim3A_203 : f32 to vector<16xf32>
      tpu.vector_store_idx %arg9[%min3A_202], %broadcast_in_dim3A_204 masked %and3A_197 : memref<1264xf32, #tpu.memory_space<vmem>>[vector<16xi32>], vector<16xf32>, vector<16xi1>
      %jit3A_205 = arith.constant 1.000000e+30 : f32
      %broadcast_in_dim3A_206 = vector.broadcast %jit3A_205 : f32 to vector<16xf32>
      %select_n3A_207 = arith.select %ge3A_101, %gather3A_139, %broadcast_in_dim3A_206 : vector<16xf32>
      %jit3A_208 = arith.constant 1.000000e+30 : f32
      %broadcast_in_dim3A_209 = vector.broadcast %jit3A_208 : f32 to vector<16xf32>
      %select_n3A_210 = arith.select %ge3A_101, %gather3A_143, %broadcast_in_dim3A_209 : vector<16xf32>
      %jit3A_211 = arith.constant 1.000000e+30 : f32
      %broadcast_in_dim3A_212 = vector.broadcast %jit3A_211 : f32 to vector<16xf32>
      %select_n3A_213 = arith.select %ge3A_101, %gather3A_147, %broadcast_in_dim3A_212 : vector<16xf32>
      %jit3A_214 = arith.constant 1.000000e+30 : f32
      %broadcast_in_dim3A_215 = vector.broadcast %jit3A_214 : f32 to vector<16xf32>
      %select_n3A_216 = arith.select %ge3A_101, %gather3A_151, %broadcast_in_dim3A_215 : vector<16xf32>
      %sub3A_217 = arith.subf %select_n3A_213, %select_n3A_207 : vector<16xf32>
      %sub3A_218 = arith.subf %select_n3A_216, %select_n3A_210 : vector<16xf32>
      %mul3A_219 = arith.mulf %sub3A_217, %sub3A_218 : vector<16xf32>
      %parallel_loop3A = arith.constant 0 : i32
      %parallel_loop3A_220 = arith.constant 79 : i32
      %parallel_loop3A_221 = arith.constant 1 : i32
      %parallel_loop3A_222:2 = scf.for %parallel_loop3A_223 = %parallel_loop3A to %parallel_loop3A_220 step %parallel_loop3A_221 iter_args(%parallel_loop3A_224 = %broadcast_in_dim3A_1, %parallel_loop3A_225 = %broadcast_in_dim3A_3) -> (vector<16xf32>, vector<16xi32>)  : i32 {
        %parallel_loop3A_226 = arith.constant 78 : i32
        %parallel_loop3A_227 = arith.subi %parallel_loop3A_226, %parallel_loop3A_223 : i32
        %parallel_loop3A_228 = arith.constant 16 : i32
        %parallel_loop3A_229 = arith.muli %parallel_loop3A_227, %parallel_loop3A_228 : i32
        %parallel_loop3A_230 = arith.index_cast %parallel_loop3A_229 : i32 to index
        %parallel_loop3A_231 = tpu.vector_load %arg9[%parallel_loop3A_230] {strides = array<i32>} : memref<1264xf32, #tpu.memory_space<vmem>>, vector<16xf32>,
        %parallel_loop3A_232 = arith.index_cast %parallel_loop3A_229 : i32 to index
        %parallel_loop3A_233 = tpu.vector_load %arg10[%parallel_loop3A_232] {strides = array<i32>} : memref<1264xf32, #tpu.memory_space<vmem>>, vector<16xf32>,
        %parallel_loop3A_234 = arith.maximumf %parallel_loop3A_233, %select_n3A_207 : vector<16xf32>
        %parallel_loop3A_235 = arith.index_cast %parallel_loop3A_229 : i32 to index
        %parallel_loop3A_236 = tpu.vector_load %arg11[%parallel_loop3A_235] {strides = array<i32>} : memref<1264xf32, #tpu.memory_space<vmem>>, vector<16xf32>,
        %parallel_loop3A_237 = arith.maximumf %parallel_loop3A_236, %select_n3A_210 : vector<16xf32>
        %parallel_loop3A_238 = arith.index_cast %parallel_loop3A_229 : i32 to index
        %parallel_loop3A_239 = tpu.vector_load %arg12[%parallel_loop3A_238] {strides = array<i32>} : memref<1264xf32, #tpu.memory_space<vmem>>, vector<16xf32>,
        %parallel_loop3A_240 = arith.minimumf %parallel_loop3A_239, %select_n3A_213 : vector<16xf32>
        %parallel_loop3A_241 = arith.index_cast %parallel_loop3A_229 : i32 to index
        %parallel_loop3A_242 = tpu.vector_load %arg13[%parallel_loop3A_241] {strides = array<i32>} : memref<1264xf32, #tpu.memory_space<vmem>>, vector<16xf32>,
        %parallel_loop3A_243 = arith.minimumf %parallel_loop3A_242, %select_n3A_216 : vector<16xf32>
        %parallel_loop3A_244 = arith.subf %parallel_loop3A_240, %parallel_loop3A_234 : vector<16xf32>
        %parallel_loop3A_245 = arith.constant 0.000000e+00 : f32
        %parallel_loop3A_246 = vector.broadcast %parallel_loop3A_245 : f32 to vector<16xf32>
        %parallel_loop3A_247 = arith.maximumf %parallel_loop3A_244, %parallel_loop3A_246 : vector<16xf32>
        %parallel_loop3A_248 = arith.subf %parallel_loop3A_243, %parallel_loop3A_237 : vector<16xf32>
        %parallel_loop3A_249 = arith.constant 0.000000e+00 : f32
        %parallel_loop3A_250 = vector.broadcast %parallel_loop3A_249 : f32 to vector<16xf32>
        %parallel_loop3A_251 = arith.maximumf %parallel_loop3A_248, %parallel_loop3A_250 : vector<16xf32>
        %parallel_loop3A_252 = arith.mulf %parallel_loop3A_247, %parallel_loop3A_251 : vector<16xf32>
        %parallel_loop3A_253 = arith.constant 3.000000e+00 : f32
        %parallel_loop3A_254 = vector.broadcast %parallel_loop3A_253 : f32 to vector<16xf32>
        %parallel_loop3A_255 = arith.mulf %parallel_loop3A_254, %parallel_loop3A_252 : vector<16xf32>
        %parallel_loop3A_256 = arith.index_cast %parallel_loop3A_229 : i32 to index
        %parallel_loop3A_257 = tpu.vector_load %arg14[%parallel_loop3A_256] {strides = array<i32>} : memref<1264xf32, #tpu.memory_space<vmem>>, vector<16xf32>,
        %parallel_loop3A_258 = arith.addf %parallel_loop3A_257, %mul3A_219 : vector<16xf32>
        %parallel_loop3A_259 = arith.cmpf ogt, %parallel_loop3A_255, %parallel_loop3A_258 : vector<16xf32>
        %parallel_loop3A_260 = arith.constant -1.000000e+30 : f32
        %parallel_loop3A_261 = vector.broadcast %parallel_loop3A_260 : f32 to vector<16xf32>
        %parallel_loop3A_262 = arith.select %parallel_loop3A_259, %parallel_loop3A_261, %parallel_loop3A_231 : vector<16xi1>, vector<16xf32>
        %parallel_loop3A_263 = arith.index_cast %parallel_loop3A_229 : i32 to index
        %parallel_loop3A_264 = tpu.vector_load %arg9[%parallel_loop3A_263] {strides = array<i32>} : memref<1264xf32, #tpu.memory_space<vmem>>, vector<16xf32>,
        tpu.vector_store %arg9[%parallel_loop3A_263], %parallel_loop3A_262 {strides = array<i32>} : memref<1264xf32, #tpu.memory_space<vmem>>, vector<16xf32>,
        %parallel_loop3A_265 = arith.cmpf oge, %parallel_loop3A_262, %parallel_loop3A_224 : vector<16xf32>
        %parallel_loop3A_266 = arith.select %parallel_loop3A_265, %parallel_loop3A_262, %parallel_loop3A_224 : vector<16xi1>, vector<16xf32>
        %parallel_loop3A_267 = vector.broadcast %parallel_loop3A_229 : i32 to vector<16xi32>
        %parallel_loop3A_268 = arith.addi %parallel_loop3A_267, %iota3A : vector<16xi32>
        %parallel_loop3A_269 = arith.select %parallel_loop3A_265, %parallel_loop3A_268, %parallel_loop3A_225 : vector<16xi1>, vector<16xi32>
        scf.yield %parallel_loop3A_266, %parallel_loop3A_269 : vector<16xf32>, vector<16xi32>
      } {sc.loop_unroll_factor = 8 : i64, sc.parallel_access}
      scf.yield %parallel_loop3A_222#0, %parallel_loop3A_222#1 : vector<16xf32>, vector<16xi32>
    }
    %scan3A_14 = arith.constant 100 : i32
    %eq3A = arith.constant 0 : i32
    %eq3A_15 = arith.cmpi eq, %arg1, %eq3A : i32
    %convert_element_type3A = arith.extui %eq3A_15 : i1 to i32
    %cond3A = arith.constant 0 : i32
    %cond3A_16 = arith.cmpi ne, %convert_element_type3A, %cond3A : i32
    scf.if %cond3A_16 {
      "tpu.region"() ({
        %run_scoped3A = tpu.sem_alloc : memref<!tpu.dma_semaphore, #tpu.memory_space<semaphore_mem>>
        tpu.enqueue_dma source(%arg18 : memref<1600xf32, #tpu.memory_space<vmem>>) target(%arg8 : memref<1600xf32, #tpu.memory_space<hbm>>) target_semaphore(%run_scoped3A : memref<!tpu.dma_semaphore, #tpu.memory_space<semaphore_mem>>)
        tpu.wait_dma2 semaphore(%run_scoped3A : memref<!tpu.dma_semaphore, #tpu.memory_space<semaphore_mem>>) src(%arg18 : memref<1600xf32, #tpu.memory_space<vmem>>) dst(%arg8 : memref<1600xf32, #tpu.memory_space<hbm>>)
        tpu.yield
      }) : () -> ()
    } else {
    }
    return
  }
}

</mosaic_0001>

<sc_bundles>
// kernel: kernel.3.cloned.1.call-start
scs
__scs_entry_jumppad:
0x0: {  	(pc) =	sbr.rel $0x88, $3  }
0x1: {  	(tag) =	ssettag $0x0;
	lr =	simm.s32 $0x1  }
0x2: {  	[smem:$0x3F9E] =	sst lr;
	_ =	strace $0xD0000000  }
0x3: {  	_ = 	snop  }
0x4: {  	_ = 	snop  }
0x5: {  	_ = 	snop  }
0x6: {  	_ = 	snop  }
0x7: {  	_ = 	snop  }
__scs_overlays_trampoline_lowered:
0x8: {  	[smem:$0x3FAD] =	sst s0  }
0x9: {  	[smem:$0x3FAE] =	sst s1  }
0xa: {  	[smem:$0x3FAF] =	sst s2  }
0xb: {  	[smem:$0x3FB0] =	sst s3  }
0xc: {  	[smem:$0x3FB1] =	sst s4  }
0xd: {  	[smem:$0x3FB2] =	sst s5  }
0xe: {  	[smem:$0x3FB3] =	sst s6  }
0xf: {  	[smem:$0x3FB4] =	sst s7  }
0x10: {  	[smem:$0x3FB5] =	sst s8  }
0x11: {  	[smem:$0x3FB6] =	sst s9;
	s0 =	simm.s32 @!p0 $0x0  }
0x12: {  	s1 =	sld [smem:$0x3F9C];
	s0 =	simm.s32 @p0 $0x1  }
0x13: {  	[smem:$0x3FB7] =	sst s0;
	s0 =	simm.s32 @!p1 $0x0  }
0x14: {  	s2 =	sld [smem:$0x3F9B];
	s0 =	simm.s32 @p1 $0x1  }
0x15: {  	[smem:$0x3FB8] =	sst s0;
	s0 =	simm.s32 @!p2 $0x0  }
0x16: {  	s3 =	sld [smem:$0x3FDB];
	s0 =	simm.s32 @p2 $0x1  }
0x17: {  	s4 =	simm.s32 $0x1BF5;
	[smem:$0x3FBA] =	sst s0  }
0x18: {  	s0 =	sld [smem:$0x3F9D];
	_ =	swait.ge [sflag:s4], $0x0  }
0x19: {  	s7 =	sld [smem:$0x3F9E]  }
0x1a: {  	s8 =	sadd.s32 $0xFFFFE003, lr  }
0x1b: {  	s9 =	sadd.s32 $0xFFFFFEF7, lr;
	s5 =	simm.s32 $0xFFFFFFFF;
	p2 =	slt.u32 s8, $0xFFFFF086  }
0x1c: {  	p1 =	slt.u32 s9, $0xF7A;
	s5 =	simm.s32 @!p2 $0x0  }
0x1d: {  	s5 =	simm.s32 @p1 $0x1;
	p0 =	seq.s32 s7, s2  }
0x1e: {  	s7 =	smul.u32 @!p0 $0xF7A, s2;
	p2 =	seq.s32 @!p0 s5, $0x0  }
0x1f: {  	s9 =	smul.u32 $0xF7A, s1;
	s8 =	simm.s32 @!p0 $0x1BF5;
	p2 =	por !p2, p0  }
0x20: {  	[sflag:s8] =	ssyncset.s32 @!p0 $0xFFFFF086;
	s6 =	sadd.s32 @!p0 s3, s7;
	s7 =	simm.s32 @!p0 $0x108  }
0x21: {  	s3 =	sadd.s32 s3, s9;
	s6 =	sadd.s32 @!p0 $0x88, s6;
	s7 =	simm.s32 @p2 $0x1082  }
0x22: {  	[simem:s7], [sflag:s8] =	dma.local @!p0 [hbm:s6], $0xF7A  }
0x23: {  	s9 =	sor.u32 $0xD0000000, s2;
	s6 =	simm.s32 $0x108;
	_ =	swait.ge @!p0 [sflag:s8], $0x0  }
0x24: {  	s3 =	sadd.s32 $0x88, s3;
	s6 =	simm.s32 @!p1 $0x1082;
	[sflag:s4] =	ssyncset.s32 $0xFFFFF086  }
0x25: {  	[simem:s6], [sflag:s4] =	dma.local [hbm:s3], $0xF7A  }
0x26: {  	[smem:$0x3F9E] =	sst s1;
	(tag) =	ssettag s2;
	_ =	strace s9  }
0x27: {  	s1 =	sld [smem:$0x3FAE]  }
0x28: {  	s2 =	sld [smem:$0x3FAF]  }
0x29: {  	s4 =	sld [smem:$0x3FB1]  }
0x2a: {  	p0 =	seq.s32 s5, $0x0;
	s5 =	sld [smem:$0x3FB2]  }
0x2b: {  	s6 =	sld [smem:$0x3FB3]  }
0x2c: {  	s7 =	sld [smem:$0x3FB4]  }
0x2d: {  	s3 =	simm.s32 $0x108;
	s8 =	sld [smem:$0x3FB5]  }
0x2e: {  	s3 =	simm.s32 @!p0 $0x1082;
	s9 =	sld [smem:$0x3FB6]  }
0x2f: {  	lr =	sadd.s32 s0, s3;
	s0 =	sld [smem:$0x3FAD]  }
0x30: {  	s3 =	sld [smem:$0x3FB0]  }
0x31: {  	[smem:$0x3FB9] =	sst s10  }
0x32: {  	s10 =	sld [smem:$0x3FB7];
	_ =	sdelay $0x3  }
0x33: {  	p0 =	seq.s32 s10, $0x1;
	s10 =	sld [smem:$0x3FB9];
	_ =	sdelay $0x3  }
0x34: {  	[smem:$0x3FB9] =	sst s10  }
0x35: {  	s10 =	sld [smem:$0x3FB8];
	_ =	sdelay $0x3  }
0x36: {  	p1 =	seq.s32 s10, $0x1;
	s10 =	sld [smem:$0x3FB9];
	_ =	sdelay $0x3  }
0x37: {  	[smem:$0x3FB9] =	sst s10  }
0x38: {  	s10 =	sld [smem:$0x3FBA]  }
0x39: {  	_ = 	snop;
	(pc) =	sbr.ind lr, $3  }
0x3a: {  	_ = 	snop  }
0x3b: {  	_ = 	snop  }
0x3c: {  	p2 =	seq.s32 s10, $0x1;
	s10 =	sld [smem:$0x3FB9]  }
0x3d: {  	_ =	shalt  }
0x3e: {  	_ =	shalt  }
0x3f: {  	_ =	shalt  }
0x40: {  	_ =	shalt  }
0x41: {  	_ =	shalt  }
0x42: {  	_ =	shalt  }
0x43: {  	_ =	shalt  }
0x44: {  	_ =	shalt  }
0x45: {  	_ =	shalt  }
0x46: {  	_ =	shalt  }
0x47: {  	_ =	shalt  }
0x48: {  	_ =	shalt  }
0x49: {  	_ =	shalt  }
0x4a: {  	_ =	shalt  }
0x4b: {  	_ =	shalt  }
0x4c: {  	_ =	shalt  }
0x4d: {  	_ =	shalt  }
0x4e: {  	_ =	shalt  }
0x4f: {  	_ =	shalt  }
0x50: {  	_ =	shalt  }
0x51: {  	_ =	shalt  }
0x52: {  	_ =	shalt  }
0x53: {  	_ =	shalt  }
0x54: {  	_ =	shalt  }
0x55: {  	_ =	shalt  }
0x56: {  	_ =	shalt  }
0x57: {  	_ =	shalt  }
0x58: {  	_ =	shalt  }
0x59: {  	_ =	shalt  }
0x5a: {  	_ =	shalt  }
0x5b: {  	_ =	shalt  }
0x5c: {  	_ =	shalt  }
0x5d: {  	_ =	shalt  }
0x5e: {  	_ =	shalt  }
0x5f: {  	_ =	shalt  }
0x60: {  	_ =	shalt  }
0x61: {  	_ =	shalt  }
0x62: {  	_ =	shalt  }
0x63: {  	_ =	shalt  }
0x64: {  	_ =	shalt  }
0x65: {  	_ =	shalt  }
0x66: {  	_ =	shalt  }
0x67: {  	_ =	shalt  }
0x68: {  	_ =	shalt  }
0x69: {  	_ =	shalt  }
0x6a: {  	_ =	shalt  }
0x6b: {  	_ =	shalt  }
0x6c: {  	_ =	shalt  }
0x6d: {  	_ =	shalt  }
0x6e: {  	_ =	shalt  }
0x6f: {  	_ =	shalt  }
0x70: {  	_ =	shalt  }
0x71: {  	_ =	shalt  }
0x72: {  	_ =	shalt  }
0x73: {  	_ =	shalt  }
0x74: {  	_ =	shalt  }
0x75: {  	_ =	shalt  }
0x76: {  	_ =	shalt  }
0x77: {  	_ =	shalt  }
0x78: {  	_ =	shalt  }
0x79: {  	_ =	shalt  }
0x7a: {  	_ =	shalt  }
0x7b: {  	_ =	shalt  }
0x7c: {  	_ =	shalt  }
0x7d: {  	_ =	shalt  }
0x7e: {  	_ =	shalt  }
0x7f: {  	_ =	shalt  }
0x80: {  	_ =	shalt  }
0x81: {  	_ =	shalt  }
0x82: {  	_ =	shalt  }
0x83: {  	_ =	shalt  }
0x84: {  	_ =	shalt  }
0x85: {  	_ =	shalt  }
0x86: {  	_ =	shalt  }
0x87: {  	_ =	shalt  }
.Lfunc_end0:
.L_simem_size_0:
called_computation_lowered:
.L_overlay_start_0:
0x88: {  	s0 =	sld [smem:$0x3FD9]  }
0x89: {  	s1 =	sld [smem:$0x3FFE];
	_ =	sdelay $0x3  }
0x8a: {  	s0 =	sadd.s32 s1, s0  }
0x8b: {  	[smem:$0x3FC5] =	sst s0  }
0x8c: {  	_ = 	snop  }
0x8d: {  	(tm) =	ssettm $0x1  }
0x8e: {  	s15 =	sld [smem:$0x3FFB];
	_ =	sdelay $0x3  }
0x8f: {  	_ =	strace s15  }
0x90: {  	s0 =	sld [smem:$0x3FFC];
	_ =	sdelay $0x3  }
0x91: {  	_ =	strace s0  }
0x92: {  	s0 =	sld [smem:$0x3FFD];
	_ =	sdelay $0x3  }
0x93: {  	_ =	strace s0  }
0x94: {  	_ =	strace $0x8FFFFFFF  }
0x95: {  	s16 =	sld [smem:$0x3FDB];
	_ =	sdelay $0x1  }
0x96: {  	s17 =	simm.s32 $_scs_section_size  }
0x97: {  	s2 =	simm.s32 $_size__tile_overlayer_lowered;
	s3 =	simm.s32 $_tile_overlayer_lowered  }
0x98: {  	s20 =	simm.s32 $0x1BFF;
	s19 =	sshll.u32 s3, $0x1;
	s0 =	sadd.s32 s17, s16  }
0x99: {  	s4 =	simm.s32 $0x0;
	s18 =	sshll.u32 s2, $0x1;
	s2 =	sadd.s32 s19, s0  }
0x9a: {  	[timem:s4], [sflag:s20] =	dma.local [hbm:s2], s18  }
0x9b: {  	_ =	swait.ge [sflag:s20], s18  }
0x9c: {  	s1 =	ssub.s32 $0x0, s18;
	[sflag:s20] =	ssyncset.done $0x0  }
0x9d: {  	[sflag:s20] =	ssyncadd.s32 s1;
	_ =	sdelay $0x1  }
0x9e: {  	s21 =	simm.s32 $0x1B8B  }
0x9f: {  	_ =	swait.ge [sflag:s21], $0x1  }
0xa0: {  	[sflag:s21] =	ssyncset.done $0x0  }
0xa1: {  	s23 =	simm.s32 $0x1B8E;
	s22 =	sld [smem:$0x3FFE];
	[sflag:s21] =	ssyncadd.s32 $0xFFFFFFFF  }
0xa2: {  	s24 =	simm.s32 $execute0_lowered;
	[smem:$0x3FD2] =	sst s23  }
0xa3: {  	s2 =	sshll.u32 s24, $0x1;
	_ =	strace $0x80000046;
	[dreg:$0x1] =	wrdreg $0xFFFFFFFF  }
0xa4: {  	s25 =	simm.s32 $_size_execute0_lowered;
	s0 =	sadd.s32 s0, s2;
	[dreg:$0x0] =	wrdreg $0x0  }
0xa5: {  	s2 =	sshll.u32 s25, $0x1;
	[dreg:$0x2] =	wrdreg s0  }
0xa6: {  	[dreg:$0x3] =	wrdreg s2  }
0xa7: {  	[dreg:$0x4] =	wrdreg $0xC0  }
0xa8: {  	_ =	task [dreg:s4], $0x5FFFF  }
0xa9: {  	[dreg:$0x1] =	wrdreg $0xFFFFFFFF  }
0xaa: {  	[dreg:$0x0] =	wrdreg $0x60  }
0xab: {  	[dreg:$0x2] =	wrdreg s22  }
0xac: {  	[dreg:$0x3] =	wrdreg $0x2A800  }
0xad: {  	[dreg:$0x4] =	wrdreg $0x9  }
0xae: {  	_ =	task.clear_ibuf [dreg:s4], $0x5FFFF;
	_ =	strace $0x90000046  }
0xaf: {  	s26 =	simm.s32 $0x9;
	_ =	strace $0x80000048  }
0xb0: {  	_ =	swait.ge [sflag:s26], $0x1  }
0xb1: {  	[sflag:s26] =	ssyncadd.s32 $0xFFFFFFFF  }
0xb2: {  	_ =	strace $0x90000048  }
0xb3: {  	_ =	sfence  }
0xb4: {  	s28 =	sld [smem:$0x0];
	_ =	sdelay $0x1  }
0xb5: {  	s29 =	srdreg.scid  }
0xb6: {  	s30 =	sshll.u32 s29, $0xD;
	s31 =	sshrl.u32 s29, $0x2  }
0xb7: {  	s1 =	sand.u32 $0x1, s29;
	s2 =	sand.u32 $0x4000, s30;
	s0 =	sadd.s32 s31, s28  }
0xb8: {  	s1 =	sor.u32 s2, s1;
	s0 =	sshll.u32 s0, $0x11  }
0xb9: {  	s0 =	sor.u32 s0, s1  }
0xba: {  	s0 =	sadd.s32 $0x8F2B, s0  }
0xbb: {  	[sflag:s0] =	ssyncadd.remote.s32 $0x1  }
0xbc: {  	_ =	sfence.sel $0xFFFF  }
0xbd: {  	[dreg:$0x0] =	wrdreg $0xFFFFFFFF;
	(pc) =	sbr.abs _section_cstart, $3  }
0xbe: {  	[dreg:$0x1] =	wrdreg $0xFFFFFFFF  }
0xbf: {  	_ =	task.clear_ibuf [dreg:s4], $0x2FFFF;
	_ =	strace $0x9FFFFFFF  }
0xc0: {  	(tm) =	ssettm $0x7FFFFFFF  }
0xc1: {  	_ =	shalt  }
tec
execute0_lowered:
.L_overlay_start_1:
0x0: {  	(tag) =	ssettag $0x1  }
0x1: {  	s1 =	stileid.u32  }
0x2: {  	s4 =	rddreg [dreg:$0x0];
	s2 =	smul.u32 $0x4F0, s1  }
0x3: {  	s3 =	rddreg [dreg:$0x1]  }
0x4: {  	s0 =	rddreg [dreg:$0x2];
	s5 =	simm.s32 $0x0;
	s6 =	sshrl.u32 s2, $0x3  }
0x5: {  	[smem:$0x7FF] =	sst s5;
	s8 =	sadd.s32 s4, s6  }
0x6: {  	s9 =	simm.s32 $0x1;
	_ =	strace $0x80000047;
	s6 =	sadd.s32 $0x3200, s8  }
0x7: {  	[tilespmem:s5], [sflag:$0x1] =	stream.linear.gather [hbm4b:s6+s5], $0x4F0, $0x38;
	[tilespmem:$0x2A90] =	vst v63  }
0x8: {  	_ =	swait.ge [sflag:s9], $0x4F0  }
0x9: {  	[sflag:s9] =	ssyncset.done $0x0  }
0xa: {  	s6 =	simm.s32 $0x500;
	[sflag:s9] =	ssyncadd.s32 $0xFFFFFB10  }
0xb: {  	[tilespmem:s6], [sflag:$0x1] =	stream.linear.gather [hbm4b:s8+s5], $0x4F0, $0x38;
	[tilespmem:$0x2A90] =	vst v63  }
0xc: {  	_ =	swait.ge [sflag:s9], $0x4F0  }
0xd: {  	[sflag:s9] =	ssyncset.done $0x0  }
0xe: {  	s10 =	simm.s32 $0xA00;
	s7 =	sadd.s32 $0xA00, s8;
	[sflag:s9] =	ssyncadd.s32 $0xFFFFFB10  }
0xf: {  	[tilespmem:s10], [sflag:$0x1] =	stream.linear.gather [hbm4b:s7+s5], $0x4F0, $0x38;
	[tilespmem:$0x2A90] =	vst v63  }
0x10: {  	_ =	swait.ge [sflag:s9], $0x4F0  }
0x11: {  	[sflag:s9] =	ssyncset.done $0x0  }
0x12: {  	s11 =	sadd.s32 $0x1400, s8;
	s7 =	simm.s32 $0xF00;
	[sflag:s9] =	ssyncadd.s32 $0xFFFFFB10  }
0x13: {  	[tilespmem:s7], [sflag:$0x1] =	stream.linear.gather [hbm4b:s11+s5], $0x4F0, $0x38;
	[tilespmem:$0x2A90] =	vst v63  }
0x14: {  	_ =	swait.ge [sflag:s9], $0x4F0  }
0x15: {  	[sflag:s9] =	ssyncset.done $0x0  }
0x16: {  	s12 =	simm.s32 $0x1400;
	s30 =	sadd.s32 $0x1E00, s8;
	[sflag:s9] =	ssyncadd.s32 $0xFFFFFB10  }
0x17: {  	[tilespmem:s12], [sflag:$0x1] =	stream.linear.gather [hbm4b:s30+s5], $0x4F0, $0x38;
	[tilespmem:$0x2A90] =	vst v63  }
0x18: {  	_ =	swait.ge [sflag:s9], $0x4F0  }
0x19: {  	[sflag:s9] =	ssyncset.done $0x0  }
0x1a: {  	s31 =	simm.s32 $0x1E00;
	s8 =	sadd.s32 $0x2800, s8;
	[sflag:s9] =	ssyncadd.s32 $0xFFFFFB10  }
0x1b: {  	[tilespmem:s31], [sflag:$0x1] =	stream.linear.gather [hbm4b:s8+s5], $0x4F0, $0x38;
	[tilespmem:$0x2A90] =	vst v63  }
0x1c: {  	_ =	swait.ge [sflag:s9], $0x4F0  }
0x1d: {  	[sflag:s9] =	ssyncset.done $0x0  }
0x1e: {  	[sflag:s9] =	ssyncadd.s32 $0xFFFFFB10  }
0x1f: {  	v0 =	vld [tilespmem:s5+$0x0];
	_ =	sdelay $0x4  }
0x20: {  	vm0 =	vge.f32 v0, $1.000000010e-01  }
0x21: {  	v1 =	vnsel vm0, $0xF149F2CA, v0  }
0x22: {  	[tilespmem:s5+$0x0] =	vst v1  }
0x23: {  	v2 =	vld [tilespmem:s10+$0x0]  }
0x24: {  	v3 =	vld [tilespmem:s7+$0x0]  }
0x25: {  	v0 =	vlaneseq.u32;
	v4 =	vld [tilespmem:s12+$0x0]  }
0x26: {  	v5 =	vimm.f32 $-1.000000020e+30;
	v6 =	vimm.s32 $0x0;
	v7 =	vor.u32 s5, v0;
	v10 =	vld [tilespmem:s6+$0x0]  }
0x27: {  	vm0 =	veq.f32 v1, v5;
	vm1 =	vlt.s32 v7, v6  }
0x28: {  	vm15 =	vgt.f32 v1, v5;
	vm0 =	vmand vm1, vm0  }
0x29: {  	vm0 =	vmor vm15, vm0  }
0x2a: {  	s13 =	simm.s32 $0x1900;
	s4 =	sadd.s32 $0x3C00, s4;
	s11 =	simm.s32 $0x1910;
	v8 =	vsel vm0, v1, v5  }
0x2b: {  	s8 =	simm.s32 $0x10;
	s9 =	simm.s32 $0x1410;
	s10 =	simm.s32 $0xA10;
	v9 =	vsel vm0, v7, v6;
	v1 =	vsub.f32 v4, v2;
	v2 =	vsub.f32 v3, v10  }
.LBB2_1:
0x2c: {  	s5 =	sadd.s32 $0x10, s5;
	s7 =	sadd.s32 $0x10, s7;
	s6 =	sadd.s32 $0x10, s6  }
0x2d: {  	p0 =	sne.s32 s8, $0x4E0;
	s12 =	smov.u32 s8;
	s8 =	sadd.s32 $0x10, s8;
	v1 =	vmul.f32 v1, v2  }
0x2e: {  	_ = 	snop  }
0x2f: {  	[tilespmem:s13+$0x0] =	vst v1;
	s13 =	smov.u32 s11  }
0x30: {  	v1 =	vld [tilespmem:s5+$0x0];
	_ =	sdelay $0x4  }
0x31: {  	vm0 =	vge.f32 v1, $1.000000010e-01  }
0x32: {  	v2 =	vor.u32 s12, v0;
	v1 =	vnsel vm0, $0xF149F2CA, v1  }
0x33: {  	vm1 =	vlt.s32 v2, v9;
	[tilespmem:s5+$0x0] =	vst v1;
	vm0 =	veq.f32 v1, v8  }
0x34: {  	vm2 =	vgt.f32 v1, v8;
	v3 =	vld [tilespmem:s10+$0x0];
	vm0 =	vmand vm1, vm0  }
0x35: {  	v4 =	vld [tilespmem:s7+$0x0];
	vm0 =	vmor vm2, vm0  }
0x36: {  	v5 =	vld [tilespmem:s9+$0x0];
	v8 =	vsel vm0, v1, v8;
	v9 =	vsel vm0, v2, v9  }
0x37: {  	v2 =	vld [tilespmem:s6+$0x0]  }
.Ltmp0:
0x38: {  	(pc) =	sbr.rel @p0 .LBB2_1-.Ltmp0, $3  }
0x39: {  	_ =	sdelay $0x1  }
0x3a: {  	v1 =	vsub.f32 v5, v3  }
0x3b: {  	s11 =	sadd.s32 $0x10, s11;
	s10 =	sadd.s32 $0x10, s10;
	s9 =	sadd.s32 $0x10, s9;
	v2 =	vsub.f32 v4, v2  }
0x3c: {  	v0 =	vlaneseq.u32  }
0x3d: {  	vm0 =	vmmov $0x1;
	vm1 =	vcmask $0x71C;
	vm2 =	vcmask $0xB1C  }
0x3e: {  	s11 =	sshll.u32 s1, $0x5;
	s5 =	simm.s32 $0x0;
	s6 =	simm.s32 $0x500;
	vm3 =	vcmask $0xF1C;
	vm4 =	vcmask $0x131C;
	vm5 =	vcmask $0x171C  }
0x3f: {  	s7 =	simm.s32 $0xA00;
	s8 =	simm.s32 $0xF00;
	s9 =	simm.s32 $0x1400;
	vm6 =	vcmask $0x318;
	v3 =	vmul.f32 v1, v2;
	v1 =	vmul.u32 $0x8, v0  }
0x40: {  	s10 =	simm.s32 $0x1E00;
	s12 =	simm.s32 $0x2300;
	vm7 =	vcmask $0x718;
	vm8 =	vcmask $0xB18;
	s14 =	simm.s32 $0x2380;
	vm9 =	vcmask $0xF18  }
0x41: {  	vm10 =	vcmask $0x1318;
	vm11 =	vmxor vm11, vm11;
	s15 =	simm.s32 $0x0;
	s11 =	sshrl.u32 s11, $0x2;
	v2 =	vor.u32 $0x1, v1;
	[tilespmem:s13+$0x0] =	vst v3;
	s13 =	simm.s32 $0x1  }
.LBB2_3:
0x42: {  	(xrf0) =	vmax.scan.msk.f32 $0xffff, v8;
	_ =	sdelay $0x5  }
0x43: {  	v3, _, _ =	vpop (xrf0)  }
0x44: {  	v3 =	vbroadcast v3, $0xF;
	_ =	sdelay $0x1  }
0x45: {  	v4 =	vxor.u32 $0x80000000, v9;
	vm12 =	veq.f32 v8, v3  }
0x46: {  	v4 =	vnsel vm12, $0xC0000000, v4  }
0x47: {  	(xrf0) =	vmin.scan.msk.u32 $0xffff, v4;
	_ =	sdelay $0x5  }
0x48: {  	v4, _, _ =	vpop (xrf0)  }
0x49: {  	(v2sf) =	vpush v4, $0xF;
	_ =	sdelay $0xe  }
0x4a: {  	s16 =	spop (v2sf)  }
0x4b: {  	s16 =	sxor.u32 $0x80000000, s16  }
0x4c: {  	v4 =	vmov s16;
	_ =	sdelay $0x4  }
0x4d: {  	v5 =	vld.idx.msk [tilespmem:v4+s6+$0x0], $0xffff  }
0x4e: {  	s16 =	sadd.s32 s2, s16;
	v6 =	vld.idx.msk [tilespmem:v4+s7+$0x0], $0xffff  }
0x4f: {  	s16 =	scvt.s32.f32 s16;
	v7 =	vld.idx.msk [tilespmem:v4+s8+$0x0], $0xffff  }
0x50: {  	v3 =	vnsel vm0, $0x0, v3;
	vm12 =	veq.s32 v0, $0x1;
	v8 =	vld.idx.msk [tilespmem:v4+s9+$0x0], $0xffff  }
0x51: {  	v3 =	vsel vm12, s16, v3;
	v4 =	vld.idx.msk [tilespmem:v4+s10+$0x0], $0xffff  }
0x52: {  	v3 =	vsel vm1, v3, v5  }
0x53: {  	v3 =	vsel vm2, v3, v6  }
0x54: {  	s23 =	sshll.u32 s15, $0x7;
	v3 =	vsel vm3, v3, v7  }
0x55: {  	s16 =	sand.u32 $0x80, s23;
	v3 =	vsel vm4, v3, v8  }
0x56: {  	s16 =	sadd.s32 s16, s3;
	v3 =	vsel vm5, v3, v4  }
0x57: {  	s17 =	sadd.s32 s11, s16;
	[tilespmem:$0x2300] =	vst v3  }
0x58: {  	[spmem:s17] =	stream.linear.scatter [tilespmem:s12], [sflag:$0x1], $0x8, $0x38;
	[tilespmem:$0x2A90] =	vst v63  }
0x59: {  	_ =	swait.ge [sflag:s13], $0x8  }
0x5a: {  	[sflag:s13] =	ssyncset.done $0x0  }
0x5b: {  	[sflag:s13] =	ssyncadd.s32 $0xFFFFFFF8  }
0x5c: {  	[bflag:$0x0] =	sbarrier.arrive $0xFFFF  }
0x5d: {  	[tilespmem:s14], [sflag:$0x1] =	stream.linear.gather [spmem:s16], $0x80, $0x38;
	[tilespmem:$0x2A90] =	vst v63  }
0x5e: {  	_ =	swait.ge [sflag:s13], $0x80  }
0x5f: {  	[sflag:s13] =	ssyncset.done $0x0  }
0x60: {  	[sflag:s13] =	ssyncadd.s32 $0xFFFFFF80  }
0x61: {  	v3 =	vld.idx.msk [tilespmem:v1+s14+$0x0], $0xffff;
	_ =	sdelay $0x4  }
0x62: {  	(xrf0) =	vmax.scan.msk.f32 $0xffff, v3;
	_ =	sdelay $0x4  }
0x63: {  	v4 =	vld.idx.msk [tilespmem:v2+s14+$0x0], $0xffff  }
0x64: {  	v5, _, _ =	vpop (xrf0)  }
0x65: {  	v6 =	vbroadcast v5, $0xF;
	_ =	sdelay $0x1  }
0x66: {  	vm12 =	veq.f32 v3, v6  }
0x67: {  	v3 =	vnsel vm12, $0x7149F2CA, v4  }
0x68: {  	(xrf0) =	vmin.scan.msk.f32 $0xffff, v3;
	_ =	sdelay $0x5  }
0x69: {  	(v2sf) =	vpush v5, $0xF;
	v3, _, _ =	vpop (xrf0)  }
0x6a: {  	(v2sf) =	vpush v3, $0xF;
	_ =	sdelay $0xd  }
0x6b: {  	s24 =	spop (v2sf)  }
0x6c: {  	s25 =	spop (v2sf)  }
0x6d: {  	s17 =	scvt.f32.s32 s25;
	_ =	sdelay $0x1  }
0x6e: {  	s18 =	smulhi.u32 $0x67B23A55, s17;
	s19 =	sshra.s32 s17, $0x1F  }
0x6f: {  	s19 =	smul.u32 $0x67B23A55, s19;
	_ =	sdelay $0x1  }
0x70: {  	s18 =	sadd.s32 s19, s18  }
0x71: {  	s19 =	sshrl.u32 s18, $0x1F;
	s18 =	sshra.s32 s18, $0x9  }
0x72: {  	s18 =	sadd.s32 s19, s18  }
0x73: {  	s19 =	smul.u32 $0xFFFFFB10, s18  }
0x74: {  	s20 =	ssub.s32 $0x0, s17  }
0x75: {  	p0 =	slt.s32 s17, $0x1;
	p1 =	sne.s32 s19, s20  }
0x76: {  	p0 =	por !p0, !p1  }
0x77: {  	s19 =	simm.s32 $0x1;
	p0 =	por !p0, !p0  }
0x78: {  	s19 =	simm.s32 @!p0 $0x0  }
0x79: {  	s18 =	ssub.s32 s18, s19  }
0x7a: {  	s19 =	sshll.u32 s18, $0x3  }
0x7b: {  	v3 =	vmov s19  }
0x7c: {  	v4 =	vor.u32 $0x2, v3  }
0x7d: {  	v5 =	vor.u32 $0x3, v3  }
0x7e: {  	v7 =	vor.u32 $0x4, v3  }
0x7f: {  	v8 =	vor.u32 $0x5, v3  }
0x80: {  	v3 =	vor.u32 $0x6, v3  }
0x81: {  	v4 =	vld.idx.msk [tilespmem:v4+s14+$0x0], $0xffff  }
0x82: {  	p5 =	sge.f32 s24, $1.000000010e-01;
	s26 =	ssub.s32 s17, s2;
	v5 =	vld.idx.msk [tilespmem:v5+s14+$0x0], $0xffff  }
0x83: {  	v9 =	vmov s26;
	p6 =	seq.s32 s18, s1;
	v7 =	vld.idx.msk [tilespmem:v7+s14+$0x0], $0xffff  }
0x84: {  	vm12 =	vgt.s32 v9, $0x0;
	p1 =	por !p5, !p6;
	v8 =	vld.idx.msk [tilespmem:v8+s14+$0x0], $0xffff  }
0x85: {  	vm13 =	vmmov vm11;
	v6 =	vnsel vm0, $0x0, v6;
	v9 =	vnsel vm12, $0x0, v9;
	p1 =	por !p1, !p1;
	v3 =	vld.idx.msk [tilespmem:v3+s14+$0x0], $0xffff  }
0x86: {  	v9 =	vmin.u32 v9, $0x4EF;
	vm13 =	vmneg @p1 vm13;
	v6 =	vsel vm6, v6, v4  }
0x87: {  	v9 =	vbroadcast v9, $0x0;
	vm12 =	vmand vm13, vm0;
	v6 =	vsel vm7, v6, v5  }
0x88: {  	v6 =	vsel vm8, v6, v7  }
0x89: {  	v6 =	vsel vm9, v6, v8  }
0x8a: {  	s28 =	sshll.u32 s15, $0x4;
	v3 =	vsel vm10, v6, v3  }
0x8b: {  	s16 =	sand.u32 $0x3FFFFFF0, s28;
	v3 =	vpsel !p5, $0x0, v3  }
0x8c: {  	v11 =	vimm.f32 $-1.000000020e+30;
	[tilespmem:s16+$0x2400] =	vst v3  }
0x8d: {  	s29 =	simm.s32 $0x1DE0;
	[tilespmem:v9+s5+$0x0] =	vst.idx.msk vm12, v11  }
0x8e: {  	v9 =	vld [tilespmem:s29+$0xFFFFFF90]  }
0x8f: {  	v13 =	vld [tilespmem:s29+$0xFFFFFFA0]  }
0x90: {  	v14 =	vld [tilespmem:s29+$0xFFFFFFB0]  }
0x91: {  	s17 =	simm.s32 $0x9E0;
	v17 =	vld [tilespmem:s29+$0xFFFFFFC0]  }
0x92: {  	s18 =	simm.s32 $0xEE0;
	v19 =	vld [tilespmem:s17+$0xFFFFFF90]  }
0x93: {  	s19 =	simm.s32 $0x13E0;
	v21 =	vld [tilespmem:s18+$0xFFFFFF90]  }
0x94: {  	s20 =	simm.s32 $0x18E0;
	v22 =	vld [tilespmem:s19+$0xFFFFFF90]  }
0x95: {  	v23 =	vld [tilespmem:s20+$0xFFFFFF90]  }
0x96: {  	v24 =	vld [tilespmem:s29+$0xFFFFFFD0]  }
0x97: {  	v25 =	vld [tilespmem:s17+$0xFFFFFFA0]  }
0x98: {  	v26 =	vld [tilespmem:s18+$0xFFFFFFA0]  }
0x99: {  	v27 =	vld [tilespmem:s19+$0xFFFFFFA0]  }
0x9a: {  	v28 =	vld [tilespmem:s20+$0xFFFFFFA0]  }
0x9b: {  	v29 =	vld [tilespmem:s29+$0xFFFFFFE0]  }
0x9c: {  	v30 =	vld [tilespmem:s17+$0xFFFFFFB0]  }
0x9d: {  	v31 =	vld [tilespmem:s18+$0xFFFFFFB0]  }
0x9e: {  	v32 =	vld [tilespmem:s19+$0xFFFFFFB0]  }
0x9f: {  	v33 =	vld [tilespmem:s20+$0xFFFFFFB0]  }
0xa0: {  	v34 =	vld [tilespmem:s29+$0xFFFFFFF0]  }
0xa1: {  	v35 =	vld [tilespmem:s17+$0xFFFFFFC0]  }
0xa2: {  	v6 =	vpsel !p5, $0x7149F2CA, v8;
	v36 =	vld [tilespmem:s18+$0xFFFFFFC0]  }
0xa3: {  	v3 =	vpsel !p5, $0x7149F2CA, v4;
	v4 =	vpsel !p5, $0x7149F2CA, v5;
	v5 =	vpsel !p5, $0x7149F2CA, v7;
	v37 =	vld [tilespmem:s19+$0xFFFFFFC0]  }
0xa4: {  	v7 =	vsub.f32 v5, v3;
	v8 =	vsub.f32 v6, v4;
	v38 =	vld [tilespmem:s20+$0xFFFFFFC0]  }
0xa5: {  	v39 =	vld [tilespmem:s29+$0x0]  }
0xa6: {  	v16 =	vimm.s32 $0x0;
	s30 =	simm.s32 $0x4B0;
	s21 =	simm.s32 $0x4A0;
	s31 =	simm.s32 $0x4E0;
	v40 =	vld [tilespmem:s17+$0xFFFFFFD0];
	v7 =	vmul.f32 v8, v7  }
0xa7: {  	v12 =	vor.u32 s30, v0;
	v10 =	vor.u32 s21, v0;
	v20 =	vor.u32 s31, v0;
	s23 =	simm.s32 $0x4D0;
	s24 =	simm.s32 $0x4C0;
	v41 =	vld [tilespmem:s18+$0xFFFFFFD0]  }
0xa8: {  	s22 =	simm.s32 $0x490;
	v18 =	vor.u32 s23, v0;
	v15 =	vor.u32 s24, v0;
	v42 =	vld [tilespmem:s19+$0xFFFFFFD0];
	v9 =	vadd.f32 v9, v7  }
0xa9: {  	v43 =	vld [tilespmem:s20+$0xFFFFFFD0];
	v8 =	vor.u32 s22, v0;
	v14 =	vadd.f32 v14, v7;
	v13 =	vadd.f32 v13, v7  }
0xaa: {  	v44 =	vld [tilespmem:s17+$0xFFFFFFE0];
	v17 =	vadd.f32 v17, v7;
	v46 =	vmax.f32 v19, v3;
	v21 =	vmax.f32 v21, v4  }
0xab: {  	v45 =	vld [tilespmem:s18+$0xFFFFFFE0];
	v19 =	vadd.f32 v24, v7;
	v47 =	vmin.f32 v22, v5;
	v23 =	vmin.f32 v23, v6  }
0xac: {  	v48 =	vld [tilespmem:s19+$0xFFFFFFE0];
	v25 =	vmax.f32 v25, v3;
	v49 =	vmax.f32 v26, v4;
	v50 =	vmin.f32 v27, v5  }
0xad: {  	v51 =	vld [tilespmem:s20+$0xFFFFFFE0];
	v22 =	vadd.f32 v29, v7;
	v52 =	vmax.f32 v30, v3;
	v53 =	vmin.f32 v28, v6  }
0xae: {  	v62 =	vld [tilespmem:s20+$0xFFFFFFF0];
	v54 =	vmax.f32 v31, v4;
	v55 =	vmin.f32 v32, v5;
	v56 =	vmin.f32 v33, v6  }
0xaf: {  	v63 =	vld [tilespmem:s17+$0x0];
	v24 =	vadd.f32 v34, v7;
	v57 =	vmax.f32 v35, v3;
	v58 =	vmax.f32 v36, v4  }
0xb0: {  	v33 =	vld [tilespmem:s18+$0xFFFFFFF0];
	v26 =	vadd.f32 v39, v7;
	v59 =	vmin.f32 v37, v5;
	v60 =	vmin.f32 v38, v6  }
0xb1: {  	v29 =	vld [tilespmem:s17+$0xFFFFFFF0];
	v27 =	vmax.f32 v40, v3;
	v28 =	vmax.f32 v41, v4;
	v34 =	vmin.f32 v42, v5  }
0xb2: {  	v35 =	vld [tilespmem:s19+$0xFFFFFFF0];
	v30 =	vmax.f32 v44, v3;
	v31 =	vmax.f32 v45, v4;
	v40 =	vmin.f32 v43, v6  }
0xb3: {  	v44 =	vld [tilespmem:s18+$0x0];
	v42 =	vmin.f32 v48, v5;
	v43 =	vmin.f32 v51, v6;
	v38 =	vsub.f32 v50, v25  }
0xb4: {  	v45 =	vld [tilespmem:s19+$0x0];
	v39 =	vsub.f32 v53, v49;
	v49 =	vmin.f32 v62, v6;
	v36 =	vsub.f32 v56, v54  }
0xb5: {  	s16 =	simm.s32 $0x4E0;
	v50 =	vmax.f32 v63, v3;
	v37 =	vmax.f32 v33, v4;
	v33 =	vsub.f32 v47, v46;
	v46 =	vld [tilespmem:s20+$0x0]  }
0xb6: {  	v48 =	vsub.f32 v59, v57;
	v32 =	vmax.f32 v29, v3;
	v29 =	vsub.f32 v23, v21;
	v21 =	vld [tilespmem:s16+$0xFFFFFF90]  }
0xb7: {  	s21 =	simm.s32 $0x470;
	s23 =	simm.s32 $0x1D60;
	s22 =	simm.s32 $0x0;
	v41 =	vsub.f32 v60, v58;
	v47 =	vmin.f32 v35, v5;
	v35 =	vsub.f32 v55, v52;
	v23 =	vld [tilespmem:s16+$0xFFFFFFA0]  }
.LBB2_4:
0xb8: {  	v25 =	vld [tilespmem:s23+$0xFFFFFF90];
	v44 =	vmax.f32 v44, v4;
	v34 =	vsub.f32 v34, v27;
	v40 =	vsub.f32 v40, v28  }
0xb9: {  	v42 =	vsub.f32 v42, v30;
	v43 =	vsub.f32 v43, v31;
	v28 =	vmin.f32 v45, v5;
	v45 =	vld [tilespmem:s16+$0xFFFFFFB0]  }
0xba: {  	v31 =	vsub.f32 v47, v32;
	v32 =	vsub.f32 v49, v37;
	v27 =	vld [tilespmem:s23+$0xFFFFFFA0];
	v30 =	vmin.f32 v46, v6  }
0xbb: {  	v33 =	vmax.f32 v33, $0.0e+00;
	v37 =	vsub.f32 v28, v50;
	v30 =	vsub.f32 v30, v44;
	v44 =	vld [tilespmem:s16+$0xFFFFFFC0]  }
0xbc: {  	v38 =	vmax.f32 v38, $0.0e+00;
	v39 =	vmax.f32 v39, $0.0e+00;
	v46 =	vmax.f32 v29, $0.0e+00;
	v28 =	vld [tilespmem:s23+$0xFFFFFFB0]  }
0xbd: {  	v35 =	vmax.f32 v35, $0.0e+00;
	v36 =	vmax.f32 v36, $0.0e+00;
	v48 =	vmax.f32 v48, $0.0e+00;
	v47 =	vld [tilespmem:s16+$0xFFFFFFD0]  }
0xbe: {  	v41 =	vmax.f32 v41, $0.0e+00;
	v37 =	vmax.f32 v37, $0.0e+00;
	v30 =	vmax.f32 v30, $0.0e+00;
	v29 =	vld [tilespmem:s23+$0xFFFFFFC0]  }
0xbf: {  	s17 =	sadd.s32 $0xFFFFFF80, s17;
	v34 =	vmax.f32 v34, $0.0e+00;
	v40 =	vmax.f32 v40, $0.0e+00;
	v37 =	vmul.f32 v30, v37;
	v49 =	vld [tilespmem:s16+$0x0]  }
0xc0: {  	v31 =	vmax.f32 v31, $0.0e+00;
	v32 =	vmax.f32 v32, $0.0e+00;
	v33 =	vmul.f32 v46, v33;
	v30 =	vld [tilespmem:s17+$0xFFFFFF90]  }
0xc1: {  	s18 =	sadd.s32 $0xFFFFFF80, s18;
	v42 =	vmax.f32 v42, $0.0e+00;
	v32 =	vmul.f32 v32, v31;
	v37 =	vmul.f32 $3.000000000e+00, v37;
	v46 =	vld [tilespmem:s16+$0xFFFFFFF0]  }
0xc2: {  	v35 =	vmul.f32 v36, v35;
	v36 =	vmul.f32 v39, v38;
	v43 =	vmax.f32 v43, $0.0e+00;
	v31 =	vld [tilespmem:s18+$0xFFFFFF90]  }
0xc3: {  	s19 =	sadd.s32 $0xFFFFFF80, s19;
	vm12 =	vgt.f32 v37, v26;
	v26 =	vmul.f32 $3.000000000e+00, v32;
	v37 =	vmul.f32 v43, v42;
	v32 =	vld [tilespmem:s16+$0xFFFFFFE0]  }
0xc4: {  	s20 =	sadd.s32 $0xFFFFFF80, s20;
	v34 =	vmul.f32 v40, v34;
	v40 =	vmul.f32 v41, v48;
	v38 =	vld [tilespmem:s19+$0xFFFFFF90];
	v39 =	vsel vm12, $0xF149F2CA, v49  }
0xc5: {  	vm13 =	vgt.f32 v26, v24;
	v24 =	vmul.f32 $3.000000000e+00, v37;
	v41 =	vld [tilespmem:s20+$0xFFFFFF90];
	[tilespmem:s16+$0x0] =	vst v39;
	vm12 =	vge.f32 v39, v11  }
0xc6: {  	v26 =	vld [tilespmem:s23+$0xFFFFFFD0];
	v11 =	vsel vm12, v39, v11;
	v16 =	vsel vm12, v20, v16;
	v20 =	vsel vm13, $0xF149F2CA, v46  }
0xc7: {  	vm13 =	vgt.f32 v24, v22;
	v22 =	vmul.f32 $3.000000000e+00, v34;
	v37 =	vld [tilespmem:s17+$0xFFFFFFA0];
	[tilespmem:s16+$0xFFFFFFF0] =	vst v20;
	vm12 =	vge.f32 v20, v11  }
0xc8: {  	v24 =	vld [tilespmem:s18+$0xFFFFFFA0];
	v11 =	vsel vm12, v20, v11;
	v16 =	vsel vm12, v18, v16;
	v18 =	vsel vm13, $0xF149F2CA, v32  }
0xc9: {  	vm13 =	vgt.f32 v22, v19;
	v19 =	vmul.f32 $3.000000000e+00, v40;
	v32 =	vld [tilespmem:s19+$0xFFFFFFA0];
	[tilespmem:s16+$0xFFFFFFE0] =	vst v18;
	vm12 =	vge.f32 v18, v11  }
0xca: {  	v34 =	vld [tilespmem:s20+$0xFFFFFFA0];
	v11 =	vsel vm12, v18, v11;
	v15 =	vsel vm12, v15, v16;
	v16 =	vsel vm13, $0xF149F2CA, v47  }
0xcb: {  	vm13 =	vgt.f32 v19, v17;
	v17 =	vmul.f32 $3.000000000e+00, v35;
	v22 =	vld [tilespmem:s23+$0xFFFFFFE0];
	[tilespmem:s16+$0xFFFFFFD0] =	vst v16;
	vm12 =	vge.f32 v16, v11  }
0xcc: {  	v35 =	vld [tilespmem:s17+$0xFFFFFFB0];
	v11 =	vsel vm12, v16, v11;
	v12 =	vsel vm12, v12, v15;
	v15 =	vsel vm13, $0xF149F2CA, v44  }
0xcd: {  	vm13 =	vgt.f32 v17, v14;
	v14 =	vmul.f32 $3.000000000e+00, v36;
	v39 =	vld [tilespmem:s18+$0xFFFFFFB0];
	[tilespmem:s16+$0xFFFFFFC0] =	vst v15;
	vm12 =	vge.f32 v15, v11  }
0xce: {  	v36 =	vld [tilespmem:s19+$0xFFFFFFB0];
	v11 =	vsel vm12, v15, v11;
	v10 =	vsel vm12, v10, v12;
	v12 =	vsel vm13, $0xF149F2CA, v45  }
0xcf: {  	vm13 =	vgt.f32 v14, v13;
	v13 =	vmul.f32 $3.000000000e+00, v33;
	v40 =	vld [tilespmem:s20+$0xFFFFFFB0];
	[tilespmem:s16+$0xFFFFFFB0] =	vst v12;
	vm12 =	vge.f32 v12, v11  }
0xd0: {  	s24 =	sadd.s32 $0x10, s21;
	v33 =	vld [tilespmem:s23+$0xFFFFFFF0];
	v11 =	vsel vm12, v12, v11;
	v8 =	vsel vm12, v8, v10;
	v10 =	vsel vm13, $0xF149F2CA, v23  }
0xd1: {  	v12 =	vor.u32 s24, v0;
	vm13 =	vgt.f32 v13, v9;
	v23 =	vld [tilespmem:s17+$0xFFFFFFC0];
	[tilespmem:s16+$0xFFFFFFA0] =	vst v10;
	vm12 =	vge.f32 v10, v11  }
0xd2: {  	v42 =	vld [tilespmem:s18+$0xFFFFFFC0];
	v9 =	vsel vm12, v10, v11;
	v8 =	vsel vm12, v12, v8;
	v10 =	vsel vm13, $0xF149F2CA, v21  }
0xd3: {  	v12 =	vor.u32 s21, v0;
	v21 =	vld [tilespmem:s19+$0xFFFFFFC0];
	[tilespmem:s16+$0xFFFFFF90] =	vst v10;
	vm12 =	vge.f32 v10, v9  }
0xd4: {  	s25 =	simm.s32 $0x60;
	s24 =	simm.s32 $0x180;
	v43 =	vld [tilespmem:s20+$0xFFFFFFC0];
	v11 =	vsel vm12, v10, v9;
	v16 =	vsel vm12, v12, v8  }
0xd5: {  	s21 =	sadd.s32 $0xFFFFFF80, s21;
	v44 =	vld [tilespmem:s23+$0x0]  }
0xd6: {  	s26 =	sadd.s32 $0x40, s21;
	s28 =	sadd.s32 $0x30, s21;
	s29 =	sadd.s32 $0x20, s21;
	v45 =	vld [tilespmem:s17+$0xFFFFFFD0]  }
0xd7: {  	s30 =	sadd.s32 $0x60, s21;
	s31 =	sadd.s32 $0x50, s21;
	v12 =	vor.u32 s26, v0;
	v10 =	vor.u32 s28, v0;
	v8 =	vor.u32 s29, v0;
	v46 =	vld [tilespmem:s18+$0xFFFFFFD0]  }
0xd8: {  	s26 =	sadd.s32 $0x70, s21;
	v18 =	vor.u32 s30, v0;
	v15 =	vor.u32 s31, v0;
	v9 =	vadd.f32 v25, v7;
	v47 =	vld [tilespmem:s19+$0xFFFFFFD0]  }
0xd9: {  	v14 =	vadd.f32 v28, v7;
	v13 =	vadd.f32 v27, v7;
	v20 =	vor.u32 s26, v0;
	v25 =	vld [tilespmem:s20+$0xFFFFFFD0]  }
0xda: {  	v49 =	vmax.f32 v31, v4;
	v17 =	vadd.f32 v29, v7;
	v29 =	vmax.f32 v30, v3;
	v48 =	vld [tilespmem:s17+$0xFFFFFFE0]  }
0xdb: {  	v38 =	vmin.f32 v38, v5;
	v41 =	vmin.f32 v41, v6;
	v19 =	vadd.f32 v26, v7;
	v31 =	vld [tilespmem:s18+$0xFFFFFFE0]  }
0xdc: {  	v51 =	vmax.f32 v37, v3;
	v52 =	vmax.f32 v24, v4;
	v53 =	vmin.f32 v32, v5;
	v50 =	vld [tilespmem:s19+$0xFFFFFFE0]  }
0xdd: {  	v54 =	vmin.f32 v34, v6;
	v22 =	vadd.f32 v22, v7;
	v35 =	vmax.f32 v35, v3;
	v37 =	vld [tilespmem:s20+$0xFFFFFFE0]  }
0xde: {  	v55 =	vmax.f32 v39, v4;
	v36 =	vmin.f32 v36, v5;
	v56 =	vmin.f32 v40, v6;
	v32 =	vld [tilespmem:s17+$0xFFFFFFF0]  }
0xdf: {  	v24 =	vadd.f32 v33, v7;
	v23 =	vmax.f32 v23, v3;
	v57 =	vmax.f32 v42, v4;
	v39 =	vld [tilespmem:s18+$0xFFFFFFF0]  }
0xe0: {  	v59 =	vmin.f32 v21, v5;
	v60 =	vmin.f32 v43, v6;
	v26 =	vadd.f32 v44, v7;
	v58 =	vld [tilespmem:s19+$0xFFFFFFF0]  }
0xe1: {  	s22 =	sadd.s32 $0x8, s22;
	v27 =	vmax.f32 v45, v3;
	v28 =	vmax.f32 v46, v4;
	v34 =	vmin.f32 v47, v5;
	v21 =	vld [tilespmem:s20+$0xFFFFFFF0]  }
0xe2: {  	p0 =	slt.u32 s22, $0x40;
	v40 =	vmin.f32 v25, v6;
	v30 =	vmax.f32 v48, v3;
	v31 =	vmax.f32 v31, v4;
	v61 =	vld [tilespmem:s17+$0x0]  }
.Ltmp1:
0xe3: {  	v42 =	vmin.f32 v50, v5;
	v43 =	vmin.f32 v37, v6;
	v44 =	vld [tilespmem:s18+$0x0];
	v32 =	vmax.f32 v32, v3;
	(pc) =	sbr.rel @p0 .LBB2_4-.Ltmp1, $4  }
0xe4: {  	v33 =	vsub.f32 v38, v29;
	v29 =	vsub.f32 v41, v49;
	v45 =	vld [tilespmem:s19+$0x0];
	v37 =	vmax.f32 v39, v4  }
0xe5: {  	s16 =	sadd.s32 $0xFFFFFF80, s16;
	v38 =	vsub.f32 v53, v51;
	v39 =	vsub.f32 v54, v52;
	v46 =	vld [tilespmem:s20+$0x0];
	v47 =	vmin.f32 v58, v5  }
0xe6: {  	v35 =	vsub.f32 v36, v35;
	v36 =	vsub.f32 v56, v55;
	v49 =	vmin.f32 v21, v6;
	v21 =	vld [tilespmem:s16+$0xFFFFFF90]  }
0xe7: {  	s23 =	sadd.s32 $0xFFFFFF80, s23;
	v41 =	vsub.f32 v60, v57;
	v48 =	vsub.f32 v59, v23;
	v50 =	vmax.f32 v61, v3;
	v23 =	vld [tilespmem:s16+$0xFFFFFFA0]  }
0xe8: {  	v27 =	vsub.f32 v34, v27;
	v28 =	vsub.f32 v40, v28  }
0xe9: {  	v25 =	vmax.f32 v44, v4;
	v30 =	vsub.f32 v42, v30;
	v31 =	vsub.f32 v43, v31  }
0xea: {  	v32 =	vsub.f32 v47, v32;
	v37 =	vsub.f32 v49, v37;
	v33 =	vmax.f32 v33, $0.0e+00  }
0xeb: {  	v38 =	vmax.f32 v38, $0.0e+00;
	v58 =	vmin.f32 v45, v5;
	v59 =	vmin.f32 v46, v6  }
0xec: {  	v39 =	vmax.f32 v39, $0.0e+00;
	v34 =	vsub.f32 v58, v50;
	v25 =	vsub.f32 v59, v25  }
0xed: {  	v29 =	vmax.f32 v29, $0.0e+00;
	v35 =	vmax.f32 v35, $0.0e+00;
	v36 =	vmax.f32 v36, $0.0e+00  }
0xee: {  	v60 =	vmax.f32 v48, $0.0e+00;
	v34 =	vmax.f32 v34, $0.0e+00;
	v25 =	vmax.f32 v25, $0.0e+00  }
0xef: {  	v61 =	vld [tilespmem:s16+$0x0];
	v41 =	vmax.f32 v41, $0.0e+00;
	v29 =	vmul.f32 v29, v33;
	v25 =	vmul.f32 v25, v34  }
0xf0: {  	v45 =	vmul.f32 v39, v38;
	v32 =	vmax.f32 v32, $0.0e+00;
	v62 =	vmax.f32 v37, $0.0e+00  }
0xf1: {  	v63 =	vld [tilespmem:s16+$0xFFFFFFF0];
	v27 =	vmax.f32 v27, $0.0e+00;
	v32 =	vmul.f32 v62, v32;
	v25 =	vmul.f32 $3.000000000e+00, v25  }
0xf2: {  	v28 =	vmax.f32 v28, $0.0e+00;
	v30 =	vmax.f32 v30, $0.0e+00;
	v31 =	vmax.f32 v31, $0.0e+00  }
0xf3: {  	v44 =	vld [tilespmem:s16+$0xFFFFFFE0];
	v30 =	vmul.f32 v31, v30;
	v43 =	vmul.f32 $3.000000000e+00, v32;
	vm12 =	vgt.f32 v25, v26  }
0xf4: {  	v37 =	vmul.f32 v36, v35;
	v27 =	vmul.f32 v28, v27;
	v46 =	vsel vm12, $0xF149F2CA, v61  }
0xf5: {  	v47 =	vld [tilespmem:s16+$0xFFFFFFD0];
	v48 =	vmul.f32 $3.000000000e+00, v30;
	vm13 =	vgt.f32 v43, v24;
	vm12 =	vge.f32 v46, v11  }
0xf6: {  	v49 =	vmul.f32 v41, v60;
	v50 =	vsel vm13, $0xF149F2CA, v63;
	v11 =	vsel vm12, v46, v11  }
0xf7: {  	v51 =	vld [tilespmem:s16+$0xFFFFFFC0];
	v52 =	vmul.f32 $3.000000000e+00, v27;
	vm14 =	vgt.f32 v48, v22;
	vm13 =	vge.f32 v50, v11  }
0xf8: {  	v55 =	vmul.f32 $3.000000000e+00, v49;
	v53 =	vsel vm14, $0xF149F2CA, v44;
	v11 =	vsel vm13, v50, v11  }
0xf9: {  	v54 =	vld [tilespmem:s16+$0xFFFFFFB0];
	vm14 =	vgt.f32 v52, v19;
	v16 =	vsel vm12, v20, v16;
	vm12 =	vge.f32 v53, v11  }
0xfa: {  	v57 =	vmul.f32 $3.000000000e+00, v37;
	v56 =	vsel vm14, $0xF149F2CA, v47;
	v11 =	vsel vm12, v53, v11  }
0xfb: {  	vm14 =	vgt.f32 v55, v17;
	v16 =	vsel vm13, v18, v16;
	vm13 =	vge.f32 v56, v11  }
0xfc: {  	v59 =	vmul.f32 $3.000000000e+00, v45;
	v58 =	vsel vm14, $0xF149F2CA, v51;
	v11 =	vsel vm13, v56, v11  }
0xfd: {  	[tilespmem:s16+$0xFFFFFFF0] =	vst v50;
	vm14 =	vgt.f32 v57, v14;
	v15 =	vsel vm12, v15, v16;
	vm12 =	vge.f32 v58, v11  }
0xfe: {  	[tilespmem:s16+$0xFFFFFFE0] =	vst v53;
	v60 =	vsel vm14, $0xF149F2CA, v54;
	vm14 =	vgt.f32 v59, v13;
	v11 =	vsel vm12, v58, v11  }
0xff: {  	[tilespmem:s16+$0xFFFFFFD0] =	vst v56;
	v61 =	vmul.f32 $3.000000000e+00, v29;
	v12 =	vsel vm13, v12, v15;
	vm13 =	vge.f32 v60, v11  }
0x100: {  	[tilespmem:s16+$0xFFFFFFC0] =	vst v58;
	v62 =	vsel vm14, $0xF149F2CA, v23;
	v10 =	vsel vm12, v10, v12;
	v11 =	vsel vm13, v60, v11  }
0x101: {  	s17 =	sadd.s32 $0x10, s21;
	[tilespmem:s16+$0x0] =	vst v46;
	v8 =	vsel vm13, v8, v10;
	vm13 =	vgt.f32 v61, v9;
	vm12 =	vge.f32 v62, v11  }
0x102: {  	[tilespmem:s16+$0xFFFFFFB0] =	vst v60;
	v9 =	vor.u32 s17, v0;
	v10 =	vsel vm12, v62, v11;
	v11 =	vsel vm13, $0xF149F2CA, v21  }
0x103: {  	v63 =	vor.u32 s21, v0;
	[tilespmem:s16+$0xFFFFFFA0] =	vst v62;
	v9 =	vsel vm12, v9, v8;
	vm12 =	vge.f32 v11, v10  }
0x104: {  	[tilespmem:s16+$0xFFFFFF90] =	vst v11;
	v8 =	vsel vm12, v11, v10;
	v9 =	vsel vm12, v63, v9  }
.LBB2_6:
0x105: {  	s16 =	sshra.s32 s24, $0x2  }
0x106: {  	v10 =	vld [tilespmem:s16+$0x500]  }
0x107: {  	v11 =	vld [tilespmem:s16+$0xA00]  }
0x108: {  	v12 =	vld [tilespmem:s16+$0xF00]  }
0x109: {  	v13 =	vld [tilespmem:s16+$0x1400];
	_ =	sdelay $0x3  }
0x10a: {  	v10 =	vmax.f32 v10, v3  }
0x10b: {  	v11 =	vmax.f32 v11, v4;
	v12 =	vmin.f32 v12, v5;
	v13 =	vmin.f32 v13, v6  }
0x10c: {  	v62 =	vld [tilespmem:s16+$0x1900];
	v10 =	vsub.f32 v12, v10;
	v11 =	vsub.f32 v13, v11;
	_ =	sdelay $0x1  }
0x10d: {  	v10 =	vmax.f32 v10, $0.0e+00;
	v11 =	vmax.f32 v11, $0.0e+00  }
0x10e: {  	v63 =	vld [tilespmem:s16+$0x0];
	v10 =	vmul.f32 v11, v10;
	_ =	sdelay $0x1  }
0x10f: {  	p0 =	sne.s32 s24, $0x0;
	v11 =	vadd.f32 v62, v7;
	v10 =	vmul.f32 $3.000000000e+00, v10  }
.Ltmp2:
0x110: {  	_ = 	snop;
	(pc) =	sbr.rel @p0 .LBB2_6-.Ltmp2, $4  }
0x111: {  	vm12 =	vgt.f32 v10, v11  }
0x112: {  	v10 =	vsel vm12, $0xF149F2CA, v63  }
0x113: {  	v11 =	vor.u32 s25, v0;
	vm12 =	vge.f32 v10, v8  }
0x114: {  	s24 =	sadd.s32 $0xFFFFFFC0, s24;
	s25 =	sadd.s32 $0xFFFFFFF0, s25;
	[tilespmem:s16+$0x0] =	vst v10;
	v8 =	vsel vm12, v10, v8;
	v9 =	vsel vm12, v11, v9  }
0x115: {  	s15 =	sadd.s32 $0x1, s15  }
0x116: {  	p0 =	sne.s32 s15, $0x64  }
.Ltmp3:
0x117: {  	_ = 	snop;
	(pc) =	sbr.rel @p0 .LBB2_3-.Ltmp3, $1  }
0x118: {  	_ =	sdelay $0x3  }
0x119: {  	p0 =	sne.s32 s1, $0x0  }
0x11a: {  	_ =	sfence.sel @p0 $0x180000  }
0x11b: {  	[bflag:$0x0] =	sbarrier.arrive @p0 $0xFFFF  }
0x11c: {  	_ =	strace @p0 $0x90000047  }
0x11d: {  	s1 =	simm.s32 @!p0 $0x0;
	s2 =	simm.s32 @!p0 $0x2400;
	[bflag:$0x2] =	sbarrier.arrive @p0 $0xFFFF  }
0x11e: {  	[hbm4b:s4+s1] =	stream.linear.scatter @!p0 [tilespmem:s2], [sflag:$0x1], $0x680, $0x38;
	[tilespmem:$0x2A90] =	vst v63  }
0x11f: {  	s1 =	simm.s32 @!p0 $0x1  }
0x120: {  	_ =	swait.ge @!p0 [sflag:s1], $0x680  }
0x121: {  	[sflag:s1] =	ssyncset.done @!p0 $0x0  }
0x122: {  	[sflag:s1] =	ssyncadd.s32 @!p0 $0xFFFFF980  }
0x123: {  	_ =	sfence.sel @!p0 $0x180000  }
0x124: {  	[bflag:$0x0] =	sbarrier.arrive @!p0 $0xFFFF  }
0x125: {  	_ =	strace @!p0 $0x90000047  }
0x126: {  	s0 =	sadd.s32 @!p0 $0x100000, s0;
	[bflag:$0x2] =	sbarrier.arrive @!p0 $0xFFFF  }
0x127: {  	[sflag:s0] =	ssyncadd.tile.s32 @!p0 $0x1;
	_ =	shalt  }
.Lfunc_end2:
_tile_overlayer_lowered:
.L_overlay_start_2:
0x128: {  	(tag) =	ssettag $0x2  }
0x129: {  	s0 =	rddreg [dreg:$0x0];
	s2 =	stileid.u32  }
0x12a: {  	s1 =	rddreg [dreg:$0x1];
	p0 =	sne.s32 s2, $0x0  }
0x12b: {  	s3 =	rddreg [dreg:$0x2];
	[bflag:$0x3] =	sbarrier.arrive $0xFFFF;
	s2 =	simm.s32 @!p0 $0x1C01  }
0x12c: {  	[timem:s3], [sflag:s2] =	dma.local @!p0 [hbm:s0], s1  }
0x12d: {  	s0 =	simm.s32 @!p0 $0x1  }
0x12e: {  	_ =	swait.ge @!p0 [sflag:s0], s1  }
0x12f: {  	s1 =	ssub.s32 @!p0 $0x0, s1;
	[sflag:s0] =	ssyncset.done @!p0 $0x0  }
0x130: {  	[sflag:s0] =	ssyncadd.s32 @!p0 s1  }
0x131: {  	[bflag:$0x3] =	sbarrier.arrive $0xFFFF  }
0x132: {  	_ =	shalt  }

</sc_bundles>
